<compile_context>
chip_gen: v7x
topology: tpu7x:2x2x1
jax: 0.10.2.dev20260603
libtpu: 0.0.44.dev20260713+nightly
codegen_flags: <defaults>
</compile_context>

<pallas_src>
import jax
import jax.numpy as jnp
from jax import lax
from jax.experimental import pallas as pl
from jax.experimental.pallas import tpu as pltpu
from jax.experimental.pallas import tpu_sc as plsc

NPROP = 300
N_TOTAL = 5300
L = 16
NCHUNK = (N_TOTAL + L - 1) // L
NPAD = NCHUNK * L
OUT_W = 5
OUT_PAD = 1504
SCORE_THR = 0.85
NMS_THR = 0.1
NEG = -3.0e38
DONE_THR = -1.0e37

_f32 = jnp.float32
_i32 = jnp.int32


def _nms_body(ms_h, x1_h, y1_h, x2_h, y2_h, out_h,
              s_v, x1_v, y1_v, x2_v, y2_v,
              cidx, cs, cx1, cy1, cx2, cy2, car, outf, comm):
    cid = lax.axis_index("c")
    sid = lax.axis_index("s")

    @pl.when(sid == 0)
    def _run():
        lanes = lax.iota(_i32, L)
        zi = jnp.broadcast_to(_i32(0), (L,))
        negv = jnp.broadcast_to(_f32(NEG), (L,))
        zf = jnp.broadcast_to(_f32(0.0), (L,))
        bigi = _i32(2147483647)

        pltpu.sync_copy(ms_h, s_v)
        pltpu.sync_copy(x1_h, x1_v)
        pltpu.sync_copy(y1_h, y1_v)
        pltpu.sync_copy(x2_h, x2_v)
        pltpu.sync_copy(y2_h, y2_v)

        @plsc.parallel_loop(0, NCHUNK, unroll=8)
        def _fill(i):
            cs[pl.ds(i * L, L)] = negv
            cidx[pl.ds(i * L, L)] = zi

        @plsc.parallel_loop(0, OUT_PAD // L, unroll=8)
        def _zout(i):
            outf[pl.ds(i * L, L)] = zf

        onef = jnp.broadcast_to(_f32(1.0), (L,))

        @plsc.parallel_loop(0, NCHUNK, unroll=4,
                            carry=(_f32(0.0), negv, zi))
        def _compact(i, carry):
            off, vmax, vidx = carry
            s = s_v[pl.ds(i * L, L)]
            gidx = lanes + i * L
            m = s > _f32(SCORE_THR)
            mf = jnp.where(m, onef, zf)
            cum = plsc.cumsum(mf)
            dest = (cum + (off - _f32(1.0))).astype(_i32)
            plsc.store_scatter(cidx, [dest], gidx, mask=m)
            plsc.store_scatter(cs, [dest], s, mask=m)
            better = s > vmax
            vmax = jnp.where(better, s, vmax)
            vidx = jnp.where(better, gidx, vidx)
            return off + jnp.max(cum), vmax, vidx

        offf, vmax, vidx = _compact
        nv = offf.astype(_i32)

        @pl.when(nv == 0)
        def _fallback():
            mx = jnp.max(vmax)
            sel = jnp.min(jnp.where(vmax == mx, vidx, bigi))
            lane0 = lanes == 0
            plsc.store_scatter(cidx, [zi], jnp.broadcast_to(sel, (L,)),
                               mask=lane0)
            plsc.store_scatter(cs, [zi], jnp.broadcast_to(mx, (L,)),
                               mask=lane0)

        nv1 = jnp.maximum(nv, 1)
        nch = (nv1 + (L - 1)) // L

        csf = jnp.where(cid == 0, _f32(1.25), _f32(1.0))
        bsf = jnp.where(cid == 0, _f32(1.0), _f32(1.0 / 1.25))

        def _top2_update(s, ci, m1, i1, m2, i2):
            upd1 = s > m1
            upd2 = jnp.logical_not(upd1) & (s > m2)
            m2n = jnp.where(upd1, m1, jnp.where(upd2, s, m2))
            i2n = jnp.where(upd1, i1, jnp.where(upd2, ci, i2))
            return (jnp.where(upd1, s, m1), jnp.where(upd1, ci, i1),
                    m2n, i2n)

        def _extract_top2(m1, i1, m2, i2):
            g1 = jnp.max(m1)
            j1 = jnp.min(jnp.where(m1 == g1, i1, bigi))
            c1 = (m1 == g1) & (i1 == j1)
            cand = jnp.where(c1, m2, m1)
            candi = jnp.where(c1, i2, i1)
            g2 = jnp.max(cand)
            j2 = jnp.min(jnp.where(cand == g2, candi, bigi))
            return g1, j1, g2, j2

        @plsc.parallel_loop(0, nch, unroll=4,
                            carry=(negv, lanes, negv, lanes))
        def _gather(i, c2):
            idxv = cidx[pl.ds(i * L, L)]
            sf = jnp.where(idxv < NPROP, csf, bsf)
            x1 = plsc.load_gather(x1_v, [idxv]) * sf
            y1 = plsc.load_gather(y1_v, [idxv]) * sf
            x2 = plsc.load_gather(x2_v, [idxv]) * sf
            y2 = plsc.load_gather(y2_v, [idxv]) * sf
            ar = (jnp.maximum(x2 - x1, _f32(0.0))
                  * jnp.maximum(y2 - y1, _f32(0.0)))
            cx1[pl.ds(i * L, L)] = x1
            cy1[pl.ds(i * L, L)] = y1
            cx2[pl.ds(i * L, L)] = x2
            cy2[pl.ds(i * L, L)] = y2
            car[pl.ds(i * L, L)] = ar
            s = cs[pl.ds(i * L, L)]
            ci = lanes + i * L
            bm, bi, bm2, bi2 = c2
            return _top2_update(s, ci, bm, bi, bm2, bi2)

        M10, I10, M20, I20 = _extract_top2(*_gather)

        negone = jnp.broadcast_to(_i32(-1), (L,))

        def _cond(st):
            return (st[0] < NPROP) & (st[1] > _f32(DONE_THR))

        def _iter(st):
            k, M1, I1, M2, I2, nc, it = st
            sx1a = cx1[pl.ds(I1, L)][0]
            sy1a = cy1[pl.ds(I1, L)][0]
            sx2a = cx2[pl.ds(I1, L)][0]
            sy2a = cy2[pl.ds(I1, L)][0]
            sara = car[pl.ds(I1, L)][0]
            has2 = M2 > _f32(DONE_THR)
            I2g = jnp.where(has2, I2, _i32(0))
            sx1b = cx1[pl.ds(I2g, L)][0]
            sy1b = cy1[pl.ds(I2g, L)][0]
            sx2b = cx2[pl.ds(I2g, L)][0]
            sy2b = cy2[pl.ds(I2g, L)][0]
            sarb = car[pl.ds(I2g, L)][0]

            pint = (jnp.maximum(jnp.minimum(sx2a, sx2b)
                                - jnp.maximum(sx1a, sx1b), _f32(0.0))
                    * jnp.maximum(jnp.minimum(sy2a, sy2b)
                                  - jnp.maximum(sy1a, sy1b), _f32(0.0)))
            pden = jnp.maximum(sara + sarb - pint, _f32(1e-12))
            piouv = jnp.broadcast_to(pint, (L,)) / jnp.broadcast_to(pden,
                                                                    (L,))
            sv = jnp.max(jnp.where(piouv <= _f32(NMS_THR), onef, zf))
            ok2 = has2 & (sv > _f32(0.5)) & (k < NPROP - 1)
            x1a = jnp.broadcast_to(sx1a, (L,))
            y1a = jnp.broadcast_to(sy1a, (L,))
            x2a = jnp.broadcast_to(sx2a, (L,))
            y2a = jnp.broadcast_to(sy2a, (L,))
            ara = jnp.broadcast_to(sara, (L,))
            x1b = jnp.broadcast_to(sx1b, (L,))
            y1b = jnp.broadcast_to(sy1b, (L,))
            x2b = jnp.broadcast_to(sx2b, (L,))
            y2b = jnp.broadcast_to(sy2b, (L,))
            arb = jnp.broadcast_to(sarb, (L,))

            row1 = jnp.where(lanes == 0, x1a,
                             jnp.where(lanes == 1, y1a,
                                       jnp.where(lanes == 2, x2a,
                                                 jnp.where(lanes == 3, y2a,
                                                           jnp.broadcast_to(
                                                               M1, (L,))))))
            plsc.store_scatter(outf, [lanes + k * OUT_W], row1,
                               mask=lanes < OUT_W)

            @pl.when(ok2)
            def _emit2():
                row2 = jnp.where(lanes == 0, x1b,
                                 jnp.where(lanes == 1, y1b,
                                           jnp.where(lanes == 2, x2b,
                                                     jnp.where(
                                                         lanes == 3, y2b,
                                                         jnp.broadcast_to(
                                                             M2, (L,))))))
                plsc.store_scatter(outf, [lanes + (k + 1) * OUT_W], row2,
                                   mask=lanes < OUT_W)

            ok2v = jnp.broadcast_to(ok2, (L,))
            sx1b = jnp.where(ok2v, x1b, zf)
            sy1b = jnp.where(ok2v, y1b, zf)
            sx2b = jnp.where(ok2v, x2b, zf)
            sy2b = jnp.where(ok2v, y2b, zf)
            sarb = jnp.where(ok2v, arb, zf)

            @plsc.parallel_loop(0, nc, unroll=4,
                                carry=(negv, lanes, negv, lanes, negone))
            def _sweep(i, c):
                m1, i1, m2, i2, lastc = c
                x1 = cx1[pl.ds(i * L, L)]
                y1 = cy1[pl.ds(i * L, L)]
                x2 = cx2[pl.ds(i * L, L)]
                y2 = cy2[pl.ds(i * L, L)]
                arc = car[pl.ds(i * L, L)]
                inter1 = (jnp.maximum(jnp.minimum(x2a, x2) -
                                      jnp.maximum(x1a, x1), _f32(0.0))
                          * jnp.maximum(jnp.minimum(y2a, y2) -
                                        jnp.maximum(y1a, y1), _f32(0.0)))
                iou1 = inter1 / jnp.maximum(ara + arc - inter1, _f32(1e-12))
                inter2 = (jnp.maximum(jnp.minimum(sx2b, x2) -
                                      jnp.maximum(sx1b, x1), _f32(0.0))
                          * jnp.maximum(jnp.minimum(sy2b, y2) -
                                        jnp.maximum(sy1b, y1), _f32(0.0)))
                iou2 = inter2 / jnp.maximum(sarb + arc - inter2, _f32(1e-12))
                sup = (iou1 > _f32(NMS_THR)) | (iou2 > _f32(NMS_THR))
                s = cs[pl.ds(i * L, L)]
                s_new = jnp.where(sup, negv, s)
                cs[pl.ds(i * L, L)] = s_new
                ci = lanes + i * L
                m1, i1, m2, i2 = _top2_update(s_new, ci, m1, i1, m2, i2)
                alive = s_new > _f32(DONE_THR)
                lastc = jnp.where(alive, jnp.broadcast_to(i, (L,)), lastc)
                return m1, i1, m2, i2, lastc

            m1, i1, m2, i2, lastc = _sweep
            M1n, I1n, M2n, I2n = _extract_top2(m1, i1, m2, i2)
            nc2 = jnp.max(lastc) + 1
            kn = k + jnp.where(ok2, _i32(2), _i32(1))

            comm[pl.ds(0, L)] = jnp.where(lanes == 0,
                                          jnp.broadcast_to(_f32(-1.0), (L,)),
                                          zf)
            do_rc = ((it & _i32(7)) == _i32(7)) & (M1n > _f32(DONE_THR))

            @pl.when(do_rc)
            def _recompact():
                I1nv = jnp.broadcast_to(I1n, (L,))
                I2nv = jnp.broadcast_to(I2n, (L,))
                bigiv = jnp.broadcast_to(bigi, (L,))

                def _rc(i, c):
                    off, i1v, i2v = c
                    s = cs[pl.ds(i * L, L)]
                    m = s > _f32(DONE_THR)
                    mf = jnp.where(m, onef, zf)
                    cum = plsc.cumsum(mf)
                    dest = (cum + (off - _f32(1.0))).astype(_i32)
                    x1 = cx1[pl.ds(i * L, L)]
                    y1 = cy1[pl.ds(i * L, L)]
                    x2 = cx2[pl.ds(i * L, L)]
                    y2 = cy2[pl.ds(i * L, L)]
                    ar = car[pl.ds(i * L, L)]
                    plsc.store_scatter(cs, [dest], s, mask=m)
                    plsc.store_scatter(cx1, [dest], x1, mask=m)
                    plsc.store_scatter(cy1, [dest], y1, mask=m)
                    plsc.store_scatter(cx2, [dest], x2, mask=m)
                    plsc.store_scatter(cy2, [dest], y2, mask=m)
                    plsc.store_scatter(car, [dest], ar, mask=m)
                    ci = lanes + i * L
                    i1v = jnp.where((ci == I1nv) & m, dest, i1v)
                    i2v = jnp.where((ci == I2nv) & m, dest, i2v)
                    return off + jnp.max(cum), i1v, i2v

                off, i1v, i2v = lax.fori_loop(
                    0, nc2, _rc, (_f32(0.0), bigiv, bigiv))
                noff = off.astype(_i32)

                bch = noff >> 4

                @pl.when(bch < nc2)
                def _bwipe():
                    sb = cs[pl.ds(bch * L, L)]
                    cs[pl.ds(bch * L, L)] = jnp.where(
                        lanes >= (noff & _i32(15)), negv, sb)

                @plsc.parallel_loop(bch + 1, nc2, unroll=4)
                def _wipe(i):
                    cs[pl.ds(i * L, L)] = negv

                I1r = jnp.min(i1v)
                I2r = jnp.min(i2v)
                commv = jnp.where(
                    lanes == 0, jnp.broadcast_to(off, (L,)),
                    jnp.where(lanes == 1,
                              jnp.broadcast_to(I1r.astype(_f32), (L,)),
                              jnp.where(lanes == 2,
                                        jnp.broadcast_to(I2r.astype(_f32),
                                                         (L,)),
                                        zf)))
                comm[pl.ds(0, L)] = commv

            cvv = comm[pl.ds(0, L)]
            offr = cvv[0]
            got = offr >= _f32(0.0)
            nc3 = jnp.where(got, (offr.astype(_i32) + (L - 1)) >> 4, nc2)
            I1f = jnp.where(got, cvv[1].astype(_i32), I1n)
            I2f = jnp.where(got & (M2n > _f32(DONE_THR)),
                            cvv[2].astype(_i32), I2n)
            return kn, M1n, I1f, M2n, I2f, nc3, it + 1

        lax.while_loop(_cond, _iter,
                       (_i32(0), M10, I10, M20, I20, nch, _i32(0)))

        pltpu.sync_copy(outf, out_h.at[cid])


def kernel(cached, bboxes, scores):
    cached = jnp.asarray(cached, _f32)
    bboxes = jnp.asarray(bboxes, _f32)
    scores = jnp.asarray(scores, _f32)

    pad = NPAD - N_TOTAL
    ms = jnp.concatenate([cached[:, 4], scores, jnp.full((pad,), NEG, _f32)])

    def col(j):
        return jnp.concatenate(
            [cached[:, j], bboxes[:, j], jnp.zeros((pad,), _f32)])

    mesh = plsc.VectorSubcoreMesh(core_axis_name="c", subcore_axis_name="s",
                                  num_cores=2, num_subcores=16)
    vec = lambda: pltpu.VMEM((NPAD,), _f32)
    cvec = lambda: pltpu.VMEM((NPAD + L,), _f32)
    out = pl.kernel(
        _nms_body,
        out_type=jax.ShapeDtypeStruct((2, OUT_PAD), _f32),
        mesh=mesh,
        compiler_params=pltpu.CompilerParams(needs_layout_passes=False),
        scratch_types=[
            vec(), vec(), vec(), vec(), vec(),
            pltpu.VMEM((NPAD,), _i32),
            vec(),
            cvec(), cvec(), cvec(), cvec(), cvec(),
            pltpu.VMEM((OUT_PAD,), _f32),
            pltpu.VMEM((L,), _f32),
        ],
    )(ms, col(0), col(1), col(2), col(3))
    return out[:, :NPROP * OUT_W].reshape(2, NPROP, OUT_W)

# --- scband reference (transcript-rebuilt; emitter-appended) ---
"""Pipeline reference for scband-boxes-cache-70111046140433 (READ-ONLY COPY).

The authoritative reference and input builder live on the scoring server;
editing this copy changes nothing except your own understanding.
"""

import jax, jax.numpy as jnp
import numpy as np

NUM_PROPOSALS = 300
NMS_THR = 0.1
SCORE_THR = 0.85
SCALE_FACTOR = (1.25, 1.25)
N_PROPS = 5000


def _make_boxes(key, n, img=512.0):
    k1, k2 = jax.random.split(key)
    xy = jax.random.uniform(k1, (n, 2), dtype=jnp.float32) * (img - 100.0)
    wh = jax.random.uniform(k2, (n, 2), dtype=jnp.float32) * 96.0 + 4.0
    return jnp.concatenate([xy, xy + wh], axis=1)


def setup_inputs(seed: int = 0):
    key = jax.random.key(seed)
    kb, ks, kc, kcs = jax.random.split(key, 4)
    bboxes = _make_boxes(kb, N_PROPS)
    scores = jax.random.uniform(ks, (N_PROPS,), dtype=jnp.float32)
    cached_boxes = _make_boxes(kc, NUM_PROPOSALS)
    cached_scores = jax.random.uniform(kcs, (NUM_PROPOSALS,), dtype=jnp.float32)
    cached = jnp.concatenate([cached_boxes, cached_scores[:, None]], axis=1)
    return {"cached": cached, "bboxes": bboxes, "scores": scores}


def _scale_boxes(b, sf):
    return b * jnp.array([sf[0], sf[1], sf[0], sf[1]], dtype=b.dtype)


def _nms_np(boxes, scores, thr):
    boxes = np.asarray(boxes, dtype=np.float64)
    scores = np.asarray(scores, dtype=np.float64)
    x1, y1, x2, y2 = boxes[:, 0], boxes[:, 1], boxes[:, 2], boxes[:, 3]
    areas = np.maximum(x2 - x1, 0.0) * np.maximum(y2 - y1, 0.0)
    order = np.argsort(-scores, kind="stable")
    keep = []
    while order.size > 0:
        i = int(order[0])
        keep.append(i)
        if order.size == 1:
            break
        rest = order[1:]
        xx1 = np.maximum(x1[i], x1[rest])
        yy1 = np.maximum(y1[i], y1[rest])
        xx2 = np.minimum(x2[i], x2[rest])
        yy2 = np.minimum(y2[i], y2[rest])
        inter = np.maximum(xx2 - xx1, 0.0) * np.maximum(yy2 - yy1, 0.0)
        iou = inter / np.maximum(areas[i] + areas[rest] - inter, 1e-12)
        order = rest[iou <= thr]
    return np.asarray(keep, dtype=np.int64)


def _threshold_idx(scores_np, thr):
    mask = scores_np > thr
    if mask.sum() == 0:
        return np.array([int(scores_np.argmax())], dtype=np.int64)
    return np.nonzero(mask)[0].astype(np.int64)


def _pad_to(x, n):
    m = min(int(x.shape[0]), n)
    out = jnp.zeros((n,) + tuple(x.shape[1:]), dtype=x.dtype)
    return out.at[:m].set(x[:m])


def reference(cached, bboxes, scores):
    cached_scores = cached[:, 4]
    merged_s = jnp.concatenate([cached_scores, scores], axis=0)
    n_total = merged_s.shape[0]

    mask = merged_s > SCORE_THR
    fallback = jnp.zeros_like(mask).at[jnp.argmax(merged_s)].set(True)
    valid = jnp.where(jnp.any(mask), mask, fallback)

    def _masked_nms_pass(merged_b):
        sort_key = jnp.where(valid, merged_s, -jnp.inf)
        order = jnp.argsort(-sort_key, stable=True)
        b = merged_b[order]
        sv = valid[order]
        sc = merged_s[order]
        x1, y1, x2, y2 = b[:, 0], b[:, 1], b[:, 2], b[:, 3]
        areas = jnp.maximum(x2 - x1, 0.0) * jnp.maximum(y2 - y1, 0.0)
        pos = jnp.arange(n_total)

        def body(i, keep):
            xx1 = jnp.maximum(x1[i], x1)
            yy1 = jnp.maximum(y1[i], y1)
            xx2 = jnp.minimum(x2[i], x2)
            yy2 = jnp.minimum(y2[i], y2)
            inter = jnp.maximum(xx2 - xx1, 0.0) * jnp.maximum(yy2 - yy1, 0.0)
            iou = inter / jnp.maximum(areas[i] + areas - inter, 1e-12)
            sup = (pos > i) & (iou > NMS_THR) & keep[i]
            return keep & ~sup

        keep = jax.lax.fori_loop(0, n_total, body, sv)
        rank = jnp.cumsum(keep) - 1
        dest = jnp.where(keep & (rank < NUM_PROPOSALS), rank, NUM_PROPOSALS)
        rows = jnp.concatenate([b, sc[:, None]], axis=1)
        out = jnp.zeros((NUM_PROPOSALS + 1, 5), dtype=rows.dtype).at[dest].set(rows)
        return out[:NUM_PROPOSALS]

    # Pass 1: view space (cached boxes scaled into the augmented image frame, flip=False)
    scaled_cached = _scale_boxes(cached[:, :4], SCALE_FACTOR)
    merged_b = jnp.concatenate([scaled_cached, bboxes], axis=0)
    out_view = _masked_nms_pass(merged_b)

    # Pass 2: cache space (proposals scaled back to original image frame)
    inv_sf = (1.0 / SCALE_FACTOR[0], 1.0 / SCALE_FACTOR[1])
    scaled_back = _scale_boxes(bboxes, inv_sf)
    merged_b2 = jnp.concatenate([cached[:, :4], scaled_back], axis=0)
    cache_upd = _masked_nms_pass(merged_b2)

    return jnp.stack([out_view, cache_upd], axis=0)

if __name__ == "__main__":
    import jax
    _d = setup_inputs()
    print(jax.jit(kernel)(*tuple(_d.values())))

</pallas_src>

<mosaic_0001>
#map = affine_map<(d0, d1) -> (0)>
#map1 = affine_map<(d0, d1) -> (0, 0)>
module attributes {stable_mosaic.version = 14 : i64} {
  func.func @_nms_body(%arg0: i32, %arg1: i32, %arg2: memref<5312xf32, #tpu.memory_space<hbm>>, %arg3: memref<5312xf32, #tpu.memory_space<hbm>>, %arg4: memref<5312xf32, #tpu.memory_space<hbm>>, %arg5: memref<5312xf32, #tpu.memory_space<hbm>>, %arg6: memref<5312xf32, #tpu.memory_space<hbm>>, %arg7: memref<2x1504xf32, #tpu.memory_space<hbm>>, %arg8: memref<5312xf32, #tpu.memory_space<vmem>>, %arg9: memref<5312xf32, #tpu.memory_space<vmem>>, %arg10: memref<5312xf32, #tpu.memory_space<vmem>>, %arg11: memref<5312xf32, #tpu.memory_space<vmem>>, %arg12: memref<5312xf32, #tpu.memory_space<vmem>>, %arg13: memref<5312xi32, #tpu.memory_space<vmem>>, %arg14: memref<5312xf32, #tpu.memory_space<vmem>>, %arg15: memref<5328xf32, #tpu.memory_space<vmem>>, %arg16: memref<5328xf32, #tpu.memory_space<vmem>>, %arg17: memref<5328xf32, #tpu.memory_space<vmem>>, %arg18: memref<5328xf32, #tpu.memory_space<vmem>>, %arg19: memref<5328xf32, #tpu.memory_space<vmem>>, %arg20: memref<1504xf32, #tpu.memory_space<vmem>>, %arg21: memref<16xf32, #tpu.memory_space<vmem>>) attributes {dimension_semantics = [#tpu.dimension_semantics<core_parallel>, #tpu.dimension_semantics<subcore_parallel>], iteration_bounds = array<i64: 2, 16>, scalar_prefetch = 0 : i64, scratch_operands = 14 : i64, tpu.core_type = #tpu.core_type<sc_vector_subcore>, window_params = [{transform_indices = #map}, {transform_indices = #map}, {transform_indices = #map}, {transform_indices = #map}, {transform_indices = #map}, {transform_indices = #map1}]} {
    %eq3A = arith.constant 0 : i32
    %eq3A_0 = arith.cmpi eq, %arg1, %eq3A : i32
    %convert_element_type3A = arith.extui %eq3A_0 : i1 to i32
    %cond3A = arith.constant 0 : i32
    %cond3A_1 = arith.cmpi ne, %convert_element_type3A, %cond3A : i32
    scf.if %cond3A_1 {
      %iota3A = tpu.iota {dimensions = array<i32: 0>} : vector<16xi32>
      %broadcast_in_dim3A = arith.constant 0 : i32
      %broadcast_in_dim3A_2 = vector.broadcast %broadcast_in_dim3A : i32 to vector<16xi32>
      %broadcast_in_dim3A_3 = arith.constant -3.000000e+38 : f32
      %broadcast_in_dim3A_4 = vector.broadcast %broadcast_in_dim3A_3 : f32 to vector<16xf32>
      %broadcast_in_dim3A_5 = arith.constant 0.000000e+00 : f32
      %broadcast_in_dim3A_6 = vector.broadcast %broadcast_in_dim3A_5 : f32 to vector<16xf32>
      "tpu.region"() ({
        %run_scoped3A = tpu.sem_alloc : memref<!tpu.dma_semaphore, #tpu.memory_space<semaphore_mem>>
        tpu.enqueue_dma source(%arg2 : memref<5312xf32, #tpu.memory_space<hbm>>) target(%arg8 : memref<5312xf32, #tpu.memory_space<vmem>>) target_semaphore(%run_scoped3A : memref<!tpu.dma_semaphore, #tpu.memory_space<semaphore_mem>>)
        tpu.wait_dma2 semaphore(%run_scoped3A : memref<!tpu.dma_semaphore, #tpu.memory_space<semaphore_mem>>) src(%arg2 : memref<5312xf32, #tpu.memory_space<hbm>>) dst(%arg8 : memref<5312xf32, #tpu.memory_space<vmem>>)
        tpu.yield
      }) : () -> ()
      "tpu.region"() ({
        %run_scoped3A = tpu.sem_alloc : memref<!tpu.dma_semaphore, #tpu.memory_space<semaphore_mem>>
        tpu.enqueue_dma source(%arg3 : memref<5312xf32, #tpu.memory_space<hbm>>) target(%arg9 : memref<5312xf32, #tpu.memory_space<vmem>>) target_semaphore(%run_scoped3A : memref<!tpu.dma_semaphore, #tpu.memory_space<semaphore_mem>>)
        tpu.wait_dma2 semaphore(%run_scoped3A : memref<!tpu.dma_semaphore, #tpu.memory_space<semaphore_mem>>) src(%arg3 : memref<5312xf32, #tpu.memory_space<hbm>>) dst(%arg9 : memref<5312xf32, #tpu.memory_space<vmem>>)
        tpu.yield
      }) : () -> ()
      "tpu.region"() ({
        %run_scoped3A = tpu.sem_alloc : memref<!tpu.dma_semaphore, #tpu.memory_space<semaphore_mem>>
        tpu.enqueue_dma source(%arg4 : memref<5312xf32, #tpu.memory_space<hbm>>) target(%arg10 : memref<5312xf32, #tpu.memory_space<vmem>>) target_semaphore(%run_scoped3A : memref<!tpu.dma_semaphore, #tpu.memory_space<semaphore_mem>>)
        tpu.wait_dma2 semaphore(%run_scoped3A : memref<!tpu.dma_semaphore, #tpu.memory_space<semaphore_mem>>) src(%arg4 : memref<5312xf32, #tpu.memory_space<hbm>>) dst(%arg10 : memref<5312xf32, #tpu.memory_space<vmem>>)
        tpu.yield
      }) : () -> ()
      "tpu.region"() ({
        %run_scoped3A = tpu.sem_alloc : memref<!tpu.dma_semaphore, #tpu.memory_space<semaphore_mem>>
        tpu.enqueue_dma source(%arg5 : memref<5312xf32, #tpu.memory_space<hbm>>) target(%arg11 : memref<5312xf32, #tpu.memory_space<vmem>>) target_semaphore(%run_scoped3A : memref<!tpu.dma_semaphore, #tpu.memory_space<semaphore_mem>>)
        tpu.wait_dma2 semaphore(%run_scoped3A : memref<!tpu.dma_semaphore, #tpu.memory_space<semaphore_mem>>) src(%arg5 : memref<5312xf32, #tpu.memory_space<hbm>>) dst(%arg11 : memref<5312xf32, #tpu.memory_space<vmem>>)
        tpu.yield
      }) : () -> ()
      "tpu.region"() ({
        %run_scoped3A = tpu.sem_alloc : memref<!tpu.dma_semaphore, #tpu.memory_space<semaphore_mem>>
        tpu.enqueue_dma source(%arg6 : memref<5312xf32, #tpu.memory_space<hbm>>) target(%arg12 : memref<5312xf32, #tpu.memory_space<vmem>>) target_semaphore(%run_scoped3A : memref<!tpu.dma_semaphore, #tpu.memory_space<semaphore_mem>>)
        tpu.wait_dma2 semaphore(%run_scoped3A : memref<!tpu.dma_semaphore, #tpu.memory_space<semaphore_mem>>) src(%arg6 : memref<5312xf32, #tpu.memory_space<hbm>>) dst(%arg12 : memref<5312xf32, #tpu.memory_space<vmem>>)
        tpu.yield
      }) : () -> ()
      %parallel_loop3A = arith.constant 0 : i32
      %parallel_loop3A_7 = arith.constant 332 : i32
      %parallel_loop3A_8 = arith.constant 1 : i32
      scf.for %parallel_loop3A_101 = %parallel_loop3A to %parallel_loop3A_7 step %parallel_loop3A_8  : i32 {
        %parallel_loop3A_102 = arith.constant 16 : i32
        %parallel_loop3A_103 = arith.muli %parallel_loop3A_101, %parallel_loop3A_102 : i32
        %parallel_loop3A_104 = arith.index_cast %parallel_loop3A_103 : i32 to index
        %parallel_loop3A_105 = tpu.vector_load %arg14[%parallel_loop3A_104] {strides = array<i32>} : memref<5312xf32, #tpu.memory_space<vmem>>, vector<16xf32>,
        tpu.vector_store %arg14[%parallel_loop3A_104], %broadcast_in_dim3A_4 {strides = array<i32>} : memref<5312xf32, #tpu.memory_space<vmem>>, vector<16xf32>,
        %parallel_loop3A_106 = arith.constant 16 : i32
        %parallel_loop3A_107 = arith.muli %parallel_loop3A_101, %parallel_loop3A_106 : i32
        %parallel_loop3A_108 = arith.index_cast %parallel_loop3A_107 : i32 to index
        %parallel_loop3A_109 = tpu.vector_load %arg13[%parallel_loop3A_108] {strides = array<i32>} : memref<5312xi32, #tpu.memory_space<vmem>>, vector<16xi32>,
        tpu.vector_store %arg13[%parallel_loop3A_108], %broadcast_in_dim3A_2 {strides = array<i32>} : memref<5312xi32, #tpu.memory_space<vmem>>, vector<16xi32>,
      } {sc.loop_unroll_factor = 8 : i64, sc.parallel_access}
      %parallel_loop3A_9 = arith.constant 0 : i32
      %parallel_loop3A_10 = arith.constant 94 : i32
      %parallel_loop3A_11 = arith.constant 1 : i32
      scf.for %parallel_loop3A_101 = %parallel_loop3A_9 to %parallel_loop3A_10 step %parallel_loop3A_11  : i32 {
        %parallel_loop3A_102 = arith.constant 16 : i32
        %parallel_loop3A_103 = arith.muli %parallel_loop3A_101, %parallel_loop3A_102 : i32
        %parallel_loop3A_104 = arith.index_cast %parallel_loop3A_103 : i32 to index
        %parallel_loop3A_105 = tpu.vector_load %arg20[%parallel_loop3A_104] {strides = array<i32>} : memref<1504xf32, #tpu.memory_space<vmem>>, vector<16xf32>,
        tpu.vector_store %arg20[%parallel_loop3A_104], %broadcast_in_dim3A_6 {strides = array<i32>} : memref<1504xf32, #tpu.memory_space<vmem>>, vector<16xf32>,
      } {sc.loop_unroll_factor = 8 : i64, sc.parallel_access}
      %broadcast_in_dim3A_12 = arith.constant 1.000000e+00 : f32
      %broadcast_in_dim3A_13 = vector.broadcast %broadcast_in_dim3A_12 : f32 to vector<16xf32>
      %parallel_loop3A_14 = arith.constant 0 : i32
      %parallel_loop3A_15 = arith.constant 332 : i32
      %parallel_loop3A_16 = arith.constant 1 : i32
      %parallel_loop3A_17 = arith.constant 0.000000e+00 : f32
      %parallel_loop3A_18:3 = scf.for %parallel_loop3A_101 = %parallel_loop3A_14 to %parallel_loop3A_15 step %parallel_loop3A_16 iter_args(%parallel_loop3A_102 = %parallel_loop3A_17, %parallel_loop3A_103 = %broadcast_in_dim3A_4, %parallel_loop3A_104 = %broadcast_in_dim3A_2) -> (f32, vector<16xf32>, vector<16xi32>)  : i32 {
        %parallel_loop3A_105 = arith.constant 16 : i32
        %parallel_loop3A_106 = arith.muli %parallel_loop3A_101, %parallel_loop3A_105 : i32
        %parallel_loop3A_107 = arith.index_cast %parallel_loop3A_106 : i32 to index
        %parallel_loop3A_108 = tpu.vector_load %arg8[%parallel_loop3A_107] {strides = array<i32>} : memref<5312xf32, #tpu.memory_space<vmem>>, vector<16xf32>,
        %parallel_loop3A_109 = arith.constant 16 : i32
        %parallel_loop3A_110 = arith.muli %parallel_loop3A_101, %parallel_loop3A_109 : i32
        %parallel_loop3A_111 = vector.broadcast %parallel_loop3A_110 : i32 to vector<16xi32>
        %parallel_loop3A_112 = arith.addi %iota3A, %parallel_loop3A_111 : vector<16xi32>
        %parallel_loop3A_113 = arith.constant 8.500000e-01 : f32
        %parallel_loop3A_114 = vector.broadcast %parallel_loop3A_113 : f32 to vector<16xf32>
        %parallel_loop3A_115 = arith.cmpf ogt, %parallel_loop3A_108, %parallel_loop3A_114 : vector<16xf32>
        %parallel_loop3A_116 = arith.select %parallel_loop3A_115, %broadcast_in_dim3A_13, %broadcast_in_dim3A_6 : vector<16xi1>, vector<16xf32>
        %parallel_loop3A_117 = arith.constant true
        %parallel_loop3A_118 = vector.broadcast %parallel_loop3A_117 : i1 to vector<16xi1>
        %parallel_loop3A_119 = tpu.scan <sum>, %parallel_loop3A_116 masked %parallel_loop3A_118 : vector<16xf32>, vector<16xi1> -> vector<16xf32>
        %parallel_loop3A_120 = arith.constant 1.000000e+00 : f32
        %parallel_loop3A_121 = arith.subf %parallel_loop3A_102, %parallel_loop3A_120 : f32
        %parallel_loop3A_122 = vector.broadcast %parallel_loop3A_121 : f32 to vector<16xf32>
        %parallel_loop3A_123 = arith.addf %parallel_loop3A_119, %parallel_loop3A_122 : vector<16xf32>
        %parallel_loop3A_124 = arith.fptosi %parallel_loop3A_123 : vector<16xf32> to vector<16xi32>
        tpu.vector_store_idx %arg13[%parallel_loop3A_124], %parallel_loop3A_112 masked %parallel_loop3A_115 : memref<5312xi32, #tpu.memory_space<vmem>>[vector<16xi32>], vector<16xi32>, vector<16xi1>
        tpu.vector_store_idx %arg14[%parallel_loop3A_124], %parallel_loop3A_108 masked %parallel_loop3A_115 : memref<5312xf32, #tpu.memory_space<vmem>>[vector<16xi32>], vector<16xf32>, vector<16xi1>
        %parallel_loop3A_125 = arith.cmpf ogt, %parallel_loop3A_108, %parallel_loop3A_103 : vector<16xf32>
        %parallel_loop3A_126 = arith.select %parallel_loop3A_125, %parallel_loop3A_108, %parallel_loop3A_103 : vector<16xi1>, vector<16xf32>
        %parallel_loop3A_127 = arith.select %parallel_loop3A_125, %parallel_loop3A_112, %parallel_loop3A_104 : vector<16xi1>, vector<16xi32>
        %parallel_loop3A_128 = arith.constant true
        %parallel_loop3A_129 = vector.broadcast %parallel_loop3A_128 : i1 to vector<16xi1>
        %parallel_loop3A_130 = tpu.scan <max>, %parallel_loop3A_119 masked %parallel_loop3A_129 : vector<16xf32>, vector<16xi1> -> vector<16xf32>
        %parallel_loop3A_131 = vector.extract %parallel_loop3A_130[15] : f32 from vector<16xf32>
        %parallel_loop3A_132 = arith.addf %parallel_loop3A_102, %parallel_loop3A_131 : f32
        scf.yield %parallel_loop3A_132, %parallel_loop3A_126, %parallel_loop3A_127 : f32, vector<16xf32>, vector<16xi32>
      } {sc.loop_unroll_factor = 4 : i64, sc.parallel_access}
      %convert_element_type3A_19 = arith.fptosi %parallel_loop3A_18#0 : f32 to i32
      %eq3A_20 = arith.constant 0 : i32
      %eq3A_21 = arith.cmpi eq, %convert_element_type3A_19, %eq3A_20 : i32
      %convert_element_type3A_22 = arith.extui %eq3A_21 : i1 to i32
      %cond3A_23 = arith.constant 2147483647 : i32
      %cond3A_24 = arith.constant 0 : i32
      %cond3A_25 = arith.cmpi ne, %convert_element_type3A_22, %cond3A_24 : i32
      scf.if %cond3A_25 {
        %reduce_max3A_101 = arith.constant true
        %reduce_max3A_102 = vector.broadcast %reduce_max3A_101 : i1 to vector<16xi1>
        %reduce_max3A_103 = tpu.scan <max>, %parallel_loop3A_18#1 masked %reduce_max3A_102 : vector<16xf32>, vector<16xi1> -> vector<16xf32>
        %reduce_max3A_104 = vector.extract %reduce_max3A_103[15] : f32 from vector<16xf32>
        %eq3A_105 = vector.broadcast %reduce_max3A_104 : f32 to vector<16xf32>
        %eq3A_106 = arith.cmpf oeq, %parallel_loop3A_18#1, %eq3A_105 : vector<16xf32>
        %broadcast_in_dim3A_107 = vector.broadcast %cond3A_23 : i32 to vector<16xi32>
        %select_n3A_108 = arith.select %eq3A_106, %parallel_loop3A_18#2, %broadcast_in_dim3A_107 : vector<16xi1>, vector<16xi32>
        %reduce_min3A_109 = arith.constant true
        %reduce_min3A_110 = vector.broadcast %reduce_min3A_109 : i1 to vector<16xi1>
        %reduce_min3A_111 = arith.constant -2147483648 : i32
        %reduce_min3A_112 = vector.broadcast %reduce_min3A_111 : i32 to vector<16xi32>
        %reduce_min3A_113 = arith.xori %select_n3A_108, %reduce_min3A_112 : vector<16xi32>
        %reduce_min3A_114 = tpu.scan <min>, %reduce_min3A_113 masked %reduce_min3A_110 : vector<16xi32>, vector<16xi1> -> vector<16xi32>
        %reduce_min3A_115 = arith.xori %reduce_min3A_114, %reduce_min3A_112 : vector<16xi32>
        %reduce_min3A_116 = vector.extract %reduce_min3A_115[15] : i32 from vector<16xi32>
        %eq3A_117 = arith.constant 0 : i32
        %eq3A_118 = vector.broadcast %eq3A_117 : i32 to vector<16xi32>
        %eq3A_119 = arith.cmpi eq, %iota3A, %eq3A_118 : vector<16xi32>
        %broadcast_in_dim3A_120 = vector.broadcast %reduce_min3A_116 : i32 to vector<16xi32>
        tpu.vector_store_idx %arg13[%broadcast_in_dim3A_2], %broadcast_in_dim3A_120 masked %eq3A_119 : memref<5312xi32, #tpu.memory_space<vmem>>[vector<16xi32>], vector<16xi32>, vector<16xi1>
        %broadcast_in_dim3A_121 = vector.broadcast %reduce_max3A_104 : f32 to vector<16xf32>
        tpu.vector_store_idx %arg14[%broadcast_in_dim3A_2], %broadcast_in_dim3A_121 masked %eq3A_119 : memref<5312xf32, #tpu.memory_space<vmem>>[vector<16xi32>], vector<16xf32>, vector<16xi1>
      } else {
      }
      %max3A = arith.constant 1 : i32
      %max3A_26 = arith.maxsi %convert_element_type3A_19, %max3A : i32
      %add3A = arith.constant 15 : i32
      %add3A_27 = arith.addi %max3A_26, %add3A : i32
      %jit3A = arith.constant 16 : i32
      %div3A = arith.divsi %add3A_27, %jit3A : i32
      %sign3A = arith.constant 0 : i32
      %sign3A_28 = arith.cmpi sgt, %add3A_27, %sign3A : i32
      %sign3A_29 = arith.extui %sign3A_28 : i1 to i32
      %sign3A_30 = arith.constant 0 : i32
      %sign3A_31 = arith.cmpi slt, %add3A_27, %sign3A_30 : i32
      %sign3A_32 = arith.extui %sign3A_31 : i1 to i32
      %sign3A_33 = arith.subi %sign3A_29, %sign3A_32 : i32
      %sign3A_34 = arith.constant 0 : i32
      %sign3A_35 = arith.cmpi sgt, %jit3A, %sign3A_34 : i32
      %sign3A_36 = arith.extui %sign3A_35 : i1 to i32
      %sign3A_37 = arith.constant 0 : i32
      %sign3A_38 = arith.cmpi slt, %jit3A, %sign3A_37 : i32
      %sign3A_39 = arith.extui %sign3A_38 : i1 to i32
      %sign3A_40 = arith.subi %sign3A_36, %sign3A_39 : i32
      %ne3A = arith.cmpi ne, %sign3A_33, %sign3A_40 : i32
      %rem3A = arith.remsi %add3A_27, %jit3A : i32
      %ne3A_41 = arith.constant 0 : i32
      %ne3A_42 = arith.cmpi ne, %rem3A, %ne3A_41 : i32
      %and3A = arith.andi %ne3A, %ne3A_42 : i1
      %sub3A = arith.constant 1 : i32
      %sub3A_43 = arith.subi %div3A, %sub3A : i32
      %select_n3A = arith.select %and3A, %sub3A_43, %div3A : i32
      %eq3A_44 = arith.constant 0 : i32
      %eq3A_45 = arith.cmpi eq, %arg0, %eq3A_44 : i32
      %jit3A_46 = arith.constant 1.250000e+00 : f32
      %jit3A_47 = arith.constant 1.000000e+00 : f32
      %select_n3A_48 = arith.select %eq3A_45, %jit3A_46, %jit3A_47 : f32
      %eq3A_49 = arith.constant 0 : i32
      %eq3A_50 = arith.cmpi eq, %arg0, %eq3A_49 : i32
      %jit3A_51 = arith.constant 1.000000e+00 : f32
      %jit3A_52 = arith.constant 8.000000e-01 : f32
      %select_n3A_53 = arith.select %eq3A_50, %jit3A_51, %jit3A_52 : f32
      %parallel_loop3A_54 = arith.constant 0 : i32
      %parallel_loop3A_55 = arith.constant 1 : i32
      %parallel_loop3A_56:4 = scf.for %parallel_loop3A_101 = %parallel_loop3A_54 to %select_n3A step %parallel_loop3A_55 iter_args(%parallel_loop3A_102 = %broadcast_in_dim3A_4, %parallel_loop3A_103 = %iota3A, %parallel_loop3A_104 = %broadcast_in_dim3A_4, %parallel_loop3A_105 = %iota3A) -> (vector<16xf32>, vector<16xi32>, vector<16xf32>, vector<16xi32>)  : i32 {
        %parallel_loop3A_106 = arith.constant 16 : i32
        %parallel_loop3A_107 = arith.muli %parallel_loop3A_101, %parallel_loop3A_106 : i32
        %parallel_loop3A_108 = arith.index_cast %parallel_loop3A_107 : i32 to index
        %parallel_loop3A_109 = tpu.vector_load %arg13[%parallel_loop3A_108] {strides = array<i32>} : memref<5312xi32, #tpu.memory_space<vmem>>, vector<16xi32>,
        %parallel_loop3A_110 = arith.constant 300 : i32
        %parallel_loop3A_111 = vector.broadcast %parallel_loop3A_110 : i32 to vector<16xi32>
        %parallel_loop3A_112 = arith.cmpi slt, %parallel_loop3A_109, %parallel_loop3A_111 : vector<16xi32>
        %parallel_loop3A_113 = vector.broadcast %select_n3A_48 : f32 to vector<16xf32>
        %parallel_loop3A_114 = vector.broadcast %select_n3A_53 : f32 to vector<16xf32>
        %parallel_loop3A_115 = arith.select %parallel_loop3A_112, %parallel_loop3A_113, %parallel_loop3A_114 : vector<16xi1>, vector<16xf32>
        %parallel_loop3A_116 = tpu.vector_load_idx %arg9[%parallel_loop3A_109] : memref<5312xf32, #tpu.memory_space<vmem>>[vector<16xi32>], vector<16xf32>,
        %parallel_loop3A_117 = arith.mulf %parallel_loop3A_116, %parallel_loop3A_115 : vector<16xf32>
        %parallel_loop3A_118 = tpu.vector_load_idx %arg10[%parallel_loop3A_109] : memref<5312xf32, #tpu.memory_space<vmem>>[vector<16xi32>], vector<16xf32>,
        %parallel_loop3A_119 = arith.mulf %parallel_loop3A_118, %parallel_loop3A_115 : vector<16xf32>
        %parallel_loop3A_120 = tpu.vector_load_idx %arg11[%parallel_loop3A_109] : memref<5312xf32, #tpu.memory_space<vmem>>[vector<16xi32>], vector<16xf32>,
        %parallel_loop3A_121 = arith.mulf %parallel_loop3A_120, %parallel_loop3A_115 : vector<16xf32>
        %parallel_loop3A_122 = tpu.vector_load_idx %arg12[%parallel_loop3A_109] : memref<5312xf32, #tpu.memory_space<vmem>>[vector<16xi32>], vector<16xf32>,
        %parallel_loop3A_123 = arith.mulf %parallel_loop3A_122, %parallel_loop3A_115 : vector<16xf32>
        %parallel_loop3A_124 = arith.subf %parallel_loop3A_121, %parallel_loop3A_117 : vector<16xf32>
        %parallel_loop3A_125 = arith.constant 0.000000e+00 : f32
        %parallel_loop3A_126 = vector.broadcast %parallel_loop3A_125 : f32 to vector<16xf32>
        %parallel_loop3A_127 = arith.maximumf %parallel_loop3A_124, %parallel_loop3A_126 : vector<16xf32>
        %parallel_loop3A_128 = arith.subf %parallel_loop3A_123, %parallel_loop3A_119 : vector<16xf32>
        %parallel_loop3A_129 = arith.constant 0.000000e+00 : f32
        %parallel_loop3A_130 = vector.broadcast %parallel_loop3A_129 : f32 to vector<16xf32>
        %parallel_loop3A_131 = arith.maximumf %parallel_loop3A_128, %parallel_loop3A_130 : vector<16xf32>
        %parallel_loop3A_132 = arith.mulf %parallel_loop3A_127, %parallel_loop3A_131 : vector<16xf32>
        %parallel_loop3A_133 = arith.constant 16 : i32
        %parallel_loop3A_134 = arith.muli %parallel_loop3A_101, %parallel_loop3A_133 : i32
        %parallel_loop3A_135 = arith.index_cast %parallel_loop3A_134 : i32 to index
        %parallel_loop3A_136 = tpu.vector_load %arg15[%parallel_loop3A_135] {strides = array<i32>} : memref<5328xf32, #tpu.memory_space<vmem>>, vector<16xf32>,
        tpu.vector_store %arg15[%parallel_loop3A_135], %parallel_loop3A_117 {strides = array<i32>} : memref<5328xf32, #tpu.memory_space<vmem>>, vector<16xf32>,
        %parallel_loop3A_137 = arith.constant 16 : i32
        %parallel_loop3A_138 = arith.muli %parallel_loop3A_101, %parallel_loop3A_137 : i32
        %parallel_loop3A_139 = arith.index_cast %parallel_loop3A_138 : i32 to index
        %parallel_loop3A_140 = tpu.vector_load %arg16[%parallel_loop3A_139] {strides = array<i32>} : memref<5328xf32, #tpu.memory_space<vmem>>, vector<16xf32>,
        tpu.vector_store %arg16[%parallel_loop3A_139], %parallel_loop3A_119 {strides = array<i32>} : memref<5328xf32, #tpu.memory_space<vmem>>, vector<16xf32>,
        %parallel_loop3A_141 = arith.constant 16 : i32
        %parallel_loop3A_142 = arith.muli %parallel_loop3A_101, %parallel_loop3A_141 : i32
        %parallel_loop3A_143 = arith.index_cast %parallel_loop3A_142 : i32 to index
        %parallel_loop3A_144 = tpu.vector_load %arg17[%parallel_loop3A_143] {strides = array<i32>} : memref<5328xf32, #tpu.memory_space<vmem>>, vector<16xf32>,
        tpu.vector_store %arg17[%parallel_loop3A_143], %parallel_loop3A_121 {strides = array<i32>} : memref<5328xf32, #tpu.memory_space<vmem>>, vector<16xf32>,
        %parallel_loop3A_145 = arith.constant 16 : i32
        %parallel_loop3A_146 = arith.muli %parallel_loop3A_101, %parallel_loop3A_145 : i32
        %parallel_loop3A_147 = arith.index_cast %parallel_loop3A_146 : i32 to index
        %parallel_loop3A_148 = tpu.vector_load %arg18[%parallel_loop3A_147] {strides = array<i32>} : memref<5328xf32, #tpu.memory_space<vmem>>, vector<16xf32>,
        tpu.vector_store %arg18[%parallel_loop3A_147], %parallel_loop3A_123 {strides = array<i32>} : memref<5328xf32, #tpu.memory_space<vmem>>, vector<16xf32>,
        %parallel_loop3A_149 = arith.constant 16 : i32
        %parallel_loop3A_150 = arith.muli %parallel_loop3A_101, %parallel_loop3A_149 : i32
        %parallel_loop3A_151 = arith.index_cast %parallel_loop3A_150 : i32 to index
        %parallel_loop3A_152 = tpu.vector_load %arg19[%parallel_loop3A_151] {strides = array<i32>} : memref<5328xf32, #tpu.memory_space<vmem>>, vector<16xf32>,
        tpu.vector_store %arg19[%parallel_loop3A_151], %parallel_loop3A_132 {strides = array<i32>} : memref<5328xf32, #tpu.memory_space<vmem>>, vector<16xf32>,
        %parallel_loop3A_153 = arith.constant 16 : i32
        %parallel_loop3A_154 = arith.muli %parallel_loop3A_101, %parallel_loop3A_153 : i32
        %parallel_loop3A_155 = arith.index_cast %parallel_loop3A_154 : i32 to index
        %parallel_loop3A_156 = tpu.vector_load %arg14[%parallel_loop3A_155] {strides = array<i32>} : memref<5312xf32, #tpu.memory_space<vmem>>, vector<16xf32>,
        %parallel_loop3A_157 = arith.constant 16 : i32
        %parallel_loop3A_158 = arith.muli %parallel_loop3A_101, %parallel_loop3A_157 : i32
        %parallel_loop3A_159 = vector.broadcast %parallel_loop3A_158 : i32 to vector<16xi32>
        %parallel_loop3A_160 = arith.addi %iota3A, %parallel_loop3A_159 : vector<16xi32>
        %parallel_loop3A_161 = arith.cmpf ogt, %parallel_loop3A_156, %parallel_loop3A_102 : vector<16xf32>
        %parallel_loop3A_162 = arith.constant dense<true> : vector<16xi1>
        %parallel_loop3A_163 = arith.xori %parallel_loop3A_161, %parallel_loop3A_162 : vector<16xi1>
        %parallel_loop3A_164 = arith.cmpf ogt, %parallel_loop3A_156, %parallel_loop3A_104 : vector<16xf32>
        %parallel_loop3A_165 = arith.andi %parallel_loop3A_163, %parallel_loop3A_164 : vector<16xi1>
        %parallel_loop3A_166 = arith.select %parallel_loop3A_165, %parallel_loop3A_156, %parallel_loop3A_104 : vector<16xi1>, vector<16xf32>
        %parallel_loop3A_167 = arith.select %parallel_loop3A_161, %parallel_loop3A_102, %parallel_loop3A_166 : vector<16xi1>, vector<16xf32>
        %parallel_loop3A_168 = arith.select %parallel_loop3A_165, %parallel_loop3A_160, %parallel_loop3A_105 : vector<16xi1>, vector<16xi32>
        %parallel_loop3A_169 = arith.select %parallel_loop3A_161, %parallel_loop3A_103, %parallel_loop3A_168 : vector<16xi1>, vector<16xi32>
        %parallel_loop3A_170 = arith.select %parallel_loop3A_161, %parallel_loop3A_156, %parallel_loop3A_102 : vector<16xi1>, vector<16xf32>
        %parallel_loop3A_171 = arith.select %parallel_loop3A_161, %parallel_loop3A_160, %parallel_loop3A_103 : vector<16xi1>, vector<16xi32>
        scf.yield %parallel_loop3A_170, %parallel_loop3A_171, %parallel_loop3A_167, %parallel_loop3A_169 : vector<16xf32>, vector<16xi32>, vector<16xf32>, vector<16xi32>
      } {sc.loop_unroll_factor = 4 : i64, sc.parallel_access}
      %reduce_max3A = arith.constant true
      %reduce_max3A_57 = vector.broadcast %reduce_max3A : i1 to vector<16xi1>
      %reduce_max3A_58 = tpu.scan <max>, %parallel_loop3A_56#0 masked %reduce_max3A_57 : vector<16xf32>, vector<16xi1> -> vector<16xf32>
      %reduce_max3A_59 = vector.extract %reduce_max3A_58[15] : f32 from vector<16xf32>
      %eq3A_60 = vector.broadcast %reduce_max3A_59 : f32 to vector<16xf32>
      %eq3A_61 = arith.cmpf oeq, %parallel_loop3A_56#0, %eq3A_60 : vector<16xf32>
      %jit3A_62 = arith.constant 2147483647 : i32
      %broadcast_in_dim3A_63 = vector.broadcast %jit3A_62 : i32 to vector<16xi32>
      %select_n3A_64 = arith.select %eq3A_61, %parallel_loop3A_56#1, %broadcast_in_dim3A_63 : vector<16xi1>, vector<16xi32>
      %reduce_min3A = arith.constant true
      %reduce_min3A_65 = vector.broadcast %reduce_min3A : i1 to vector<16xi1>
      %reduce_min3A_66 = arith.constant -2147483648 : i32
      %reduce_min3A_67 = vector.broadcast %reduce_min3A_66 : i32 to vector<16xi32>
      %reduce_min3A_68 = arith.xori %select_n3A_64, %reduce_min3A_67 : vector<16xi32>
      %reduce_min3A_69 = tpu.scan <min>, %reduce_min3A_68 masked %reduce_min3A_65 : vector<16xi32>, vector<16xi1> -> vector<16xi32>
      %reduce_min3A_70 = arith.xori %reduce_min3A_69, %reduce_min3A_67 : vector<16xi32>
      %reduce_min3A_71 = vector.extract %reduce_min3A_70[15] : i32 from vector<16xi32>
      %eq3A_72 = vector.broadcast %reduce_max3A_59 : f32 to vector<16xf32>
      %eq3A_73 = arith.cmpf oeq, %parallel_loop3A_56#0, %eq3A_72 : vector<16xf32>
      %eq3A_74 = vector.broadcast %reduce_min3A_71 : i32 to vector<16xi32>
      %eq3A_75 = arith.cmpi eq, %parallel_loop3A_56#1, %eq3A_74 : vector<16xi32>
      %and3A_76 = arith.andi %eq3A_73, %eq3A_75 : vector<16xi1>
      %select_n3A_77 = arith.select %and3A_76, %parallel_loop3A_56#2, %parallel_loop3A_56#0 : vector<16xi1>, vector<16xf32>
      %select_n3A_78 = arith.select %and3A_76, %parallel_loop3A_56#3, %parallel_loop3A_56#1 : vector<16xi1>, vector<16xi32>
      %reduce_max3A_79 = arith.constant true
      %reduce_max3A_80 = vector.broadcast %reduce_max3A_79 : i1 to vector<16xi1>
      %reduce_max3A_81 = tpu.scan <max>, %select_n3A_77 masked %reduce_max3A_80 : vector<16xf32>, vector<16xi1> -> vector<16xf32>
      %reduce_max3A_82 = vector.extract %reduce_max3A_81[15] : f32 from vector<16xf32>
      %eq3A_83 = vector.broadcast %reduce_max3A_82 : f32 to vector<16xf32>
      %eq3A_84 = arith.cmpf oeq, %select_n3A_77, %eq3A_83 : vector<16xf32>
      %jit3A_85 = arith.constant 2147483647 : i32
      %broadcast_in_dim3A_86 = vector.broadcast %jit3A_85 : i32 to vector<16xi32>
      %select_n3A_87 = arith.select %eq3A_84, %select_n3A_78, %broadcast_in_dim3A_86 : vector<16xi1>, vector<16xi32>
      %reduce_min3A_88 = arith.constant true
      %reduce_min3A_89 = vector.broadcast %reduce_min3A_88 : i1 to vector<16xi1>
      %reduce_min3A_90 = arith.constant -2147483648 : i32
      %reduce_min3A_91 = vector.broadcast %reduce_min3A_90 : i32 to vector<16xi32>
      %reduce_min3A_92 = arith.xori %select_n3A_87, %reduce_min3A_91 : vector<16xi32>
      %reduce_min3A_93 = tpu.scan <min>, %reduce_min3A_92 masked %reduce_min3A_89 : vector<16xi32>, vector<16xi1> -> vector<16xi32>
      %reduce_min3A_94 = arith.xori %reduce_min3A_93, %reduce_min3A_91 : vector<16xi32>
      %reduce_min3A_95 = vector.extract %reduce_min3A_94[15] : i32 from vector<16xi32>
      %broadcast_in_dim3A_96 = arith.constant -1 : i32
      %broadcast_in_dim3A_97 = vector.broadcast %broadcast_in_dim3A_96 : i32 to vector<16xi32>
      %while3A = arith.constant 2147483647 : i32
      %while3A_98 = arith.constant 0 : i32
      %while3A_99 = arith.constant 0 : i32
      %while3A_100:7 = scf.while (%while3A_101 = %while3A_98, %while3A_102 = %reduce_max3A_59, %while3A_103 = %reduce_min3A_71, %while3A_104 = %reduce_max3A_82, %while3A_105 = %reduce_min3A_95, %while3A_106 = %select_n3A, %while3A_107 = %while3A_99) : (i32, f32, i32, f32, i32, i32, i32) -> (i32, f32, i32, f32, i32, i32, i32) {
        %lt3A = arith.constant 300 : i32
        %lt3A_108 = arith.cmpi slt, %while3A_101, %lt3A : i32
        %gt3A = arith.constant -9.99999993E+36 : f32
        %gt3A_109 = arith.cmpf ogt, %while3A_102, %gt3A : f32
        %and3A_110 = arith.andi %lt3A_108, %gt3A_109 : i1
        scf.condition(%and3A_110) %while3A_101, %while3A_102, %while3A_103, %while3A_104, %while3A_105, %while3A_106, %while3A_107 : i32, f32, i32, f32, i32, i32, i32
      } do {
      ^bb0(%while3A_101: i32, %while3A_102: f32, %while3A_103: i32, %while3A_104: f32, %while3A_105: i32, %while3A_106: i32, %while3A_107: i32):
        %get3A = arith.index_cast %while3A_103 : i32 to index
        %get3A_108 = tpu.vector_load %arg15[%get3A] {strides = array<i32>} : memref<5328xf32, #tpu.memory_space<vmem>>, vector<16xf32>,
        %slice3A = vector.extract_strided_slice %get3A_108 {offsets = [0], sizes = [1], strides = [1]} : vector<16xf32> to vector<1xf32>
        %squeeze3A = vector.extract %slice3A[0] : f32 from vector<1xf32>
        %get3A_109 = arith.index_cast %while3A_103 : i32 to index
        %get3A_110 = tpu.vector_load %arg16[%get3A_109] {strides = array<i32>} : memref<5328xf32, #tpu.memory_space<vmem>>, vector<16xf32>,
        %slice3A_111 = vector.extract_strided_slice %get3A_110 {offsets = [0], sizes = [1], strides = [1]} : vector<16xf32> to vector<1xf32>
        %squeeze3A_112 = vector.extract %slice3A_111[0] : f32 from vector<1xf32>
        %get3A_113 = arith.index_cast %while3A_103 : i32 to index
        %get3A_114 = tpu.vector_load %arg17[%get3A_113] {strides = array<i32>} : memref<5328xf32, #tpu.memory_space<vmem>>, vector<16xf32>,
        %slice3A_115 = vector.extract_strided_slice %get3A_114 {offsets = [0], sizes = [1], strides = [1]} : vector<16xf32> to vector<1xf32>
        %squeeze3A_116 = vector.extract %slice3A_115[0] : f32 from vector<1xf32>
        %get3A_117 = arith.index_cast %while3A_103 : i32 to index
        %get3A_118 = tpu.vector_load %arg18[%get3A_117] {strides = array<i32>} : memref<5328xf32, #tpu.memory_space<vmem>>, vector<16xf32>,
        %slice3A_119 = vector.extract_strided_slice %get3A_118 {offsets = [0], sizes = [1], strides = [1]} : vector<16xf32> to vector<1xf32>
        %squeeze3A_120 = vector.extract %slice3A_119[0] : f32 from vector<1xf32>
        %get3A_121 = arith.index_cast %while3A_103 : i32 to index
        %get3A_122 = tpu.vector_load %arg19[%get3A_121] {strides = array<i32>} : memref<5328xf32, #tpu.memory_space<vmem>>, vector<16xf32>,
        %slice3A_123 = vector.extract_strided_slice %get3A_122 {offsets = [0], sizes = [1], strides = [1]} : vector<16xf32> to vector<1xf32>
        %squeeze3A_124 = vector.extract %slice3A_123[0] : f32 from vector<1xf32>
        %gt3A = arith.constant -9.99999993E+36 : f32
        %gt3A_125 = arith.cmpf ogt, %while3A_104, %gt3A : f32
        %jit3A_126 = arith.constant 0 : i32
        %select_n3A_127 = arith.select %gt3A_125, %while3A_105, %jit3A_126 : i32
        %get3A_128 = arith.index_cast %select_n3A_127 : i32 to index
        %get3A_129 = tpu.vector_load %arg15[%get3A_128] {strides = array<i32>} : memref<5328xf32, #tpu.memory_space<vmem>>, vector<16xf32>,
        %slice3A_130 = vector.extract_strided_slice %get3A_129 {offsets = [0], sizes = [1], strides = [1]} : vector<16xf32> to vector<1xf32>
        %squeeze3A_131 = vector.extract %slice3A_130[0] : f32 from vector<1xf32>
        %get3A_132 = arith.index_cast %select_n3A_127 : i32 to index
        %get3A_133 = tpu.vector_load %arg16[%get3A_132] {strides = array<i32>} : memref<5328xf32, #tpu.memory_space<vmem>>, vector<16xf32>,
        %slice3A_134 = vector.extract_strided_slice %get3A_133 {offsets = [0], sizes = [1], strides = [1]} : vector<16xf32> to vector<1xf32>
        %squeeze3A_135 = vector.extract %slice3A_134[0] : f32 from vector<1xf32>
        %get3A_136 = arith.index_cast %select_n3A_127 : i32 to index
        %get3A_137 = tpu.vector_load %arg17[%get3A_136] {strides = array<i32>} : memref<5328xf32, #tpu.memory_space<vmem>>, vector<16xf32>,
        %slice3A_138 = vector.extract_strided_slice %get3A_137 {offsets = [0], sizes = [1], strides = [1]} : vector<16xf32> to vector<1xf32>
        %squeeze3A_139 = vector.extract %slice3A_138[0] : f32 from vector<1xf32>
        %get3A_140 = arith.index_cast %select_n3A_127 : i32 to index
        %get3A_141 = tpu.vector_load %arg18[%get3A_140] {strides = array<i32>} : memref<5328xf32, #tpu.memory_space<vmem>>, vector<16xf32>,
        %slice3A_142 = vector.extract_strided_slice %get3A_141 {offsets = [0], sizes = [1], strides = [1]} : vector<16xf32> to vector<1xf32>
        %squeeze3A_143 = vector.extract %slice3A_142[0] : f32 from vector<1xf32>
        %get3A_144 = arith.index_cast %select_n3A_127 : i32 to index
        %get3A_145 = tpu.vector_load %arg19[%get3A_144] {strides = array<i32>} : memref<5328xf32, #tpu.memory_space<vmem>>, vector<16xf32>,
        %slice3A_146 = vector.extract_strided_slice %get3A_145 {offsets = [0], sizes = [1], strides = [1]} : vector<16xf32> to vector<1xf32>
        %squeeze3A_147 = vector.extract %slice3A_146[0] : f32 from vector<1xf32>
        %min3A = arith.minimumf %squeeze3A_116, %squeeze3A_139 : f32
        %max3A_148 = arith.maximumf %squeeze3A, %squeeze3A_131 : f32
        %sub3A_149 = arith.subf %min3A, %max3A_148 : f32
        %max3A_150 = arith.constant 0.000000e+00 : f32
        %max3A_151 = arith.maximumf %sub3A_149, %max3A_150 : f32
        %min3A_152 = arith.minimumf %squeeze3A_120, %squeeze3A_143 : f32
        %max3A_153 = arith.maximumf %squeeze3A_112, %squeeze3A_135 : f32
        %sub3A_154 = arith.subf %min3A_152, %max3A_153 : f32
        %max3A_155 = arith.constant 0.000000e+00 : f32
        %max3A_156 = arith.maximumf %sub3A_154, %max3A_155 : f32
        %mul3A = arith.mulf %max3A_151, %max3A_156 : f32
        %add3A_157 = arith.addf %squeeze3A_124, %squeeze3A_147 : f32
        %sub3A_158 = arith.subf %add3A_157, %mul3A : f32
        %max3A_159 = arith.constant 9.99999996E-13 : f32
        %max3A_160 = arith.maximumf %sub3A_158, %max3A_159 : f32
        %broadcast_in_dim3A_161 = vector.broadcast %mul3A : f32 to vector<16xf32>
        %broadcast_in_dim3A_162 = vector.broadcast %max3A_160 : f32 to vector<16xf32>
        %div3A_163 = arith.divf %broadcast_in_dim3A_161, %broadcast_in_dim3A_162 : vector<16xf32>
        %le3A = arith.constant 1.000000e-01 : f32
        %le3A_164 = vector.broadcast %le3A : f32 to vector<16xf32>
        %le3A_165 = arith.cmpf ole, %div3A_163, %le3A_164 : vector<16xf32>
        %select_n3A_166 = arith.select %le3A_165, %broadcast_in_dim3A_13, %broadcast_in_dim3A_6 : vector<16xi1>, vector<16xf32>
        %reduce_max3A_167 = arith.constant true
        %reduce_max3A_168 = vector.broadcast %reduce_max3A_167 : i1 to vector<16xi1>
        %reduce_max3A_169 = tpu.scan <max>, %select_n3A_166 masked %reduce_max3A_168 : vector<16xf32>, vector<16xi1> -> vector<16xf32>
        %reduce_max3A_170 = vector.extract %reduce_max3A_169[15] : f32 from vector<16xf32>
        %gt3A_171 = arith.constant 5.000000e-01 : f32
        %gt3A_172 = arith.cmpf ogt, %reduce_max3A_170, %gt3A_171 : f32
        %and3A_173 = arith.andi %gt3A_125, %gt3A_172 : i1
        %lt3A = arith.constant 299 : i32
        %lt3A_174 = arith.cmpi slt, %while3A_101, %lt3A : i32
        %and3A_175 = arith.andi %and3A_173, %lt3A_174 : i1
        %broadcast_in_dim3A_176 = vector.broadcast %squeeze3A : f32 to vector<16xf32>
        %broadcast_in_dim3A_177 = vector.broadcast %squeeze3A_112 : f32 to vector<16xf32>
        %broadcast_in_dim3A_178 = vector.broadcast %squeeze3A_116 : f32 to vector<16xf32>
        %broadcast_in_dim3A_179 = vector.broadcast %squeeze3A_120 : f32 to vector<16xf32>
        %broadcast_in_dim3A_180 = vector.broadcast %squeeze3A_124 : f32 to vector<16xf32>
        %broadcast_in_dim3A_181 = vector.broadcast %squeeze3A_131 : f32 to vector<16xf32>
        %broadcast_in_dim3A_182 = vector.broadcast %squeeze3A_135 : f32 to vector<16xf32>
        %broadcast_in_dim3A_183 = vector.broadcast %squeeze3A_139 : f32 to vector<16xf32>
        %broadcast_in_dim3A_184 = vector.broadcast %squeeze3A_143 : f32 to vector<16xf32>
        %broadcast_in_dim3A_185 = vector.broadcast %squeeze3A_147 : f32 to vector<16xf32>
        %eq3A_186 = arith.constant 0 : i32
        %eq3A_187 = vector.broadcast %eq3A_186 : i32 to vector<16xi32>
        %eq3A_188 = arith.cmpi eq, %iota3A, %eq3A_187 : vector<16xi32>
        %eq3A_189 = arith.constant 1 : i32
        %eq3A_190 = vector.broadcast %eq3A_189 : i32 to vector<16xi32>
        %eq3A_191 = arith.cmpi eq, %iota3A, %eq3A_190 : vector<16xi32>
        %eq3A_192 = arith.constant 2 : i32
        %eq3A_193 = vector.broadcast %eq3A_192 : i32 to vector<16xi32>
        %eq3A_194 = arith.cmpi eq, %iota3A, %eq3A_193 : vector<16xi32>
        %eq3A_195 = arith.constant 3 : i32
        %eq3A_196 = vector.broadcast %eq3A_195 : i32 to vector<16xi32>
        %eq3A_197 = arith.cmpi eq, %iota3A, %eq3A_196 : vector<16xi32>
        %broadcast_in_dim3A_198 = vector.broadcast %while3A_102 : f32 to vector<16xf32>
        %select_n3A_199 = arith.select %eq3A_197, %broadcast_in_dim3A_179, %broadcast_in_dim3A_198 : vector<16xi1>, vector<16xf32>
        %select_n3A_200 = arith.select %eq3A_194, %broadcast_in_dim3A_178, %select_n3A_199 : vector<16xi1>, vector<16xf32>
        %select_n3A_201 = arith.select %eq3A_191, %broadcast_in_dim3A_177, %select_n3A_200 : vector<16xi1>, vector<16xf32>
        %select_n3A_202 = arith.select %eq3A_188, %broadcast_in_dim3A_176, %select_n3A_201 : vector<16xi1>, vector<16xf32>
        %mul3A_203 = arith.constant 5 : i32
        %mul3A_204 = arith.muli %while3A_101, %mul3A_203 : i32
        %add3A_205 = vector.broadcast %mul3A_204 : i32 to vector<16xi32>
        %add3A_206 = arith.addi %iota3A, %add3A_205 : vector<16xi32>
        %lt3A_207 = arith.constant 5 : i32
        %lt3A_208 = vector.broadcast %lt3A_207 : i32 to vector<16xi32>
        %lt3A_209 = arith.cmpi slt, %iota3A, %lt3A_208 : vector<16xi32>
        tpu.vector_store_idx %arg20[%add3A_206], %select_n3A_202 masked %lt3A_209 : memref<1504xf32, #tpu.memory_space<vmem>>[vector<16xi32>], vector<16xf32>, vector<16xi1>
        %convert_element_type3A_210 = arith.extui %and3A_175 : i1 to i32
        %cond3A_211 = arith.constant 0 : i32
        %cond3A_212 = arith.cmpi ne, %convert_element_type3A_210, %cond3A_211 : i32
        scf.if %cond3A_212 {
          %eq3A_315 = arith.constant 0 : i32
          %eq3A_316 = vector.broadcast %eq3A_315 : i32 to vector<16xi32>
          %eq3A_317 = arith.cmpi eq, %iota3A, %eq3A_316 : vector<16xi32>
          %eq3A_318 = arith.constant 1 : i32
          %eq3A_319 = vector.broadcast %eq3A_318 : i32 to vector<16xi32>
          %eq3A_320 = arith.cmpi eq, %iota3A, %eq3A_319 : vector<16xi32>
          %eq3A_321 = arith.constant 2 : i32
          %eq3A_322 = vector.broadcast %eq3A_321 : i32 to vector<16xi32>
          %eq3A_323 = arith.cmpi eq, %iota3A, %eq3A_322 : vector<16xi32>
          %eq3A_324 = arith.constant 3 : i32
          %eq3A_325 = vector.broadcast %eq3A_324 : i32 to vector<16xi32>
          %eq3A_326 = arith.cmpi eq, %iota3A, %eq3A_325 : vector<16xi32>
          %broadcast_in_dim3A_327 = vector.broadcast %while3A_104 : f32 to vector<16xf32>
          %select_n3A_328 = arith.select %eq3A_326, %broadcast_in_dim3A_184, %broadcast_in_dim3A_327 : vector<16xi1>, vector<16xf32>
          %select_n3A_329 = arith.select %eq3A_323, %broadcast_in_dim3A_183, %select_n3A_328 : vector<16xi1>, vector<16xf32>
          %select_n3A_330 = arith.select %eq3A_320, %broadcast_in_dim3A_182, %select_n3A_329 : vector<16xi1>, vector<16xf32>
          %select_n3A_331 = arith.select %eq3A_317, %broadcast_in_dim3A_181, %select_n3A_330 : vector<16xi1>, vector<16xf32>
          %add3A_332 = arith.constant 1 : i32
          %add3A_333 = arith.addi %while3A_101, %add3A_332 : i32
          %mul3A_334 = arith.constant 5 : i32
          %mul3A_335 = arith.muli %add3A_333, %mul3A_334 : i32
          %add3A_336 = vector.broadcast %mul3A_335 : i32 to vector<16xi32>
          %add3A_337 = arith.addi %iota3A, %add3A_336 : vector<16xi32>
          %lt3A_338 = arith.constant 5 : i32
          %lt3A_339 = vector.broadcast %lt3A_338 : i32 to vector<16xi32>
          %lt3A_340 = arith.cmpi slt, %iota3A, %lt3A_339 : vector<16xi32>
          tpu.vector_store_idx %arg20[%add3A_337], %select_n3A_331 masked %lt3A_340 : memref<1504xf32, #tpu.memory_space<vmem>>[vector<16xi32>], vector<16xf32>, vector<16xi1>
        } else {
        }
        %broadcast_in_dim3A_213 = vector.broadcast %and3A_175 : i1 to vector<16xi1>
        %select_n3A_214 = arith.select %broadcast_in_dim3A_213, %broadcast_in_dim3A_181, %broadcast_in_dim3A_6 : vector<16xi1>, vector<16xf32>
        %select_n3A_215 = arith.select %broadcast_in_dim3A_213, %broadcast_in_dim3A_182, %broadcast_in_dim3A_6 : vector<16xi1>, vector<16xf32>
        %select_n3A_216 = arith.select %broadcast_in_dim3A_213, %broadcast_in_dim3A_183, %broadcast_in_dim3A_6 : vector<16xi1>, vector<16xf32>
        %select_n3A_217 = arith.select %broadcast_in_dim3A_213, %broadcast_in_dim3A_184, %broadcast_in_dim3A_6 : vector<16xi1>, vector<16xf32>
        %select_n3A_218 = arith.select %broadcast_in_dim3A_213, %broadcast_in_dim3A_185, %broadcast_in_dim3A_6 : vector<16xi1>, vector<16xf32>
        %parallel_loop3A_219 = arith.constant 0 : i32
        %parallel_loop3A_220 = arith.constant 1 : i32
        %parallel_loop3A_221:5 = scf.for %parallel_loop3A_315 = %parallel_loop3A_219 to %while3A_106 step %parallel_loop3A_220 iter_args(%parallel_loop3A_316 = %broadcast_in_dim3A_4, %parallel_loop3A_317 = %iota3A, %parallel_loop3A_318 = %broadcast_in_dim3A_4, %parallel_loop3A_319 = %iota3A, %parallel_loop3A_320 = %broadcast_in_dim3A_97) -> (vector<16xf32>, vector<16xi32>, vector<16xf32>, vector<16xi32>, vector<16xi32>)  : i32 {
          %parallel_loop3A_321 = arith.constant 16 : i32
          %parallel_loop3A_322 = arith.muli %parallel_loop3A_315, %parallel_loop3A_321 : i32
          %parallel_loop3A_323 = arith.index_cast %parallel_loop3A_322 : i32 to index
          %parallel_loop3A_324 = tpu.vector_load %arg15[%parallel_loop3A_323] {strides = array<i32>} : memref<5328xf32, #tpu.memory_space<vmem>>, vector<16xf32>,
          %parallel_loop3A_325 = arith.constant 16 : i32
          %parallel_loop3A_326 = arith.muli %parallel_loop3A_315, %parallel_loop3A_325 : i32
          %parallel_loop3A_327 = arith.index_cast %parallel_loop3A_326 : i32 to index
          %parallel_loop3A_328 = tpu.vector_load %arg16[%parallel_loop3A_327] {strides = array<i32>} : memref<5328xf32, #tpu.memory_space<vmem>>, vector<16xf32>,
          %parallel_loop3A_329 = arith.constant 16 : i32
          %parallel_loop3A_330 = arith.muli %parallel_loop3A_315, %parallel_loop3A_329 : i32
          %parallel_loop3A_331 = arith.index_cast %parallel_loop3A_330 : i32 to index
          %parallel_loop3A_332 = tpu.vector_load %arg17[%parallel_loop3A_331] {strides = array<i32>} : memref<5328xf32, #tpu.memory_space<vmem>>, vector<16xf32>,
          %parallel_loop3A_333 = arith.constant 16 : i32
          %parallel_loop3A_334 = arith.muli %parallel_loop3A_315, %parallel_loop3A_333 : i32
          %parallel_loop3A_335 = arith.index_cast %parallel_loop3A_334 : i32 to index
          %parallel_loop3A_336 = tpu.vector_load %arg18[%parallel_loop3A_335] {strides = array<i32>} : memref<5328xf32, #tpu.memory_space<vmem>>, vector<16xf32>,
          %parallel_loop3A_337 = arith.constant 16 : i32
          %parallel_loop3A_338 = arith.muli %parallel_loop3A_315, %parallel_loop3A_337 : i32
          %parallel_loop3A_339 = arith.index_cast %parallel_loop3A_338 : i32 to index
          %parallel_loop3A_340 = tpu.vector_load %arg19[%parallel_loop3A_339] {strides = array<i32>} : memref<5328xf32, #tpu.memory_space<vmem>>, vector<16xf32>,
          %parallel_loop3A_341 = arith.minimumf %broadcast_in_dim3A_178, %parallel_loop3A_332 : vector<16xf32>
          %parallel_loop3A_342 = arith.maximumf %broadcast_in_dim3A_176, %parallel_loop3A_324 : vector<16xf32>
          %parallel_loop3A_343 = arith.subf %parallel_loop3A_341, %parallel_loop3A_342 : vector<16xf32>
          %parallel_loop3A_344 = arith.constant 0.000000e+00 : f32
          %parallel_loop3A_345 = vector.broadcast %parallel_loop3A_344 : f32 to vector<16xf32>
          %parallel_loop3A_346 = arith.maximumf %parallel_loop3A_343, %parallel_loop3A_345 : vector<16xf32>
          %parallel_loop3A_347 = arith.minimumf %broadcast_in_dim3A_179, %parallel_loop3A_336 : vector<16xf32>
          %parallel_loop3A_348 = arith.maximumf %broadcast_in_dim3A_177, %parallel_loop3A_328 : vector<16xf32>
          %parallel_loop3A_349 = arith.subf %parallel_loop3A_347, %parallel_loop3A_348 : vector<16xf32>
          %parallel_loop3A_350 = arith.constant 0.000000e+00 : f32
          %parallel_loop3A_351 = vector.broadcast %parallel_loop3A_350 : f32 to vector<16xf32>
          %parallel_loop3A_352 = arith.maximumf %parallel_loop3A_349, %parallel_loop3A_351 : vector<16xf32>
          %parallel_loop3A_353 = arith.mulf %parallel_loop3A_346, %parallel_loop3A_352 : vector<16xf32>
          %parallel_loop3A_354 = arith.addf %broadcast_in_dim3A_180, %parallel_loop3A_340 : vector<16xf32>
          %parallel_loop3A_355 = arith.subf %parallel_loop3A_354, %parallel_loop3A_353 : vector<16xf32>
          %parallel_loop3A_356 = arith.constant 9.99999996E-13 : f32
          %parallel_loop3A_357 = vector.broadcast %parallel_loop3A_356 : f32 to vector<16xf32>
          %parallel_loop3A_358 = arith.maximumf %parallel_loop3A_355, %parallel_loop3A_357 : vector<16xf32>
          %parallel_loop3A_359 = arith.divf %parallel_loop3A_353, %parallel_loop3A_358 : vector<16xf32>
          %parallel_loop3A_360 = arith.minimumf %select_n3A_216, %parallel_loop3A_332 : vector<16xf32>
          %parallel_loop3A_361 = arith.maximumf %select_n3A_214, %parallel_loop3A_324 : vector<16xf32>
          %parallel_loop3A_362 = arith.subf %parallel_loop3A_360, %parallel_loop3A_361 : vector<16xf32>
          %parallel_loop3A_363 = arith.constant 0.000000e+00 : f32
          %parallel_loop3A_364 = vector.broadcast %parallel_loop3A_363 : f32 to vector<16xf32>
          %parallel_loop3A_365 = arith.maximumf %parallel_loop3A_362, %parallel_loop3A_364 : vector<16xf32>
          %parallel_loop3A_366 = arith.minimumf %select_n3A_217, %parallel_loop3A_336 : vector<16xf32>
          %parallel_loop3A_367 = arith.maximumf %select_n3A_215, %parallel_loop3A_328 : vector<16xf32>
          %parallel_loop3A_368 = arith.subf %parallel_loop3A_366, %parallel_loop3A_367 : vector<16xf32>
          %parallel_loop3A_369 = arith.constant 0.000000e+00 : f32
          %parallel_loop3A_370 = vector.broadcast %parallel_loop3A_369 : f32 to vector<16xf32>
          %parallel_loop3A_371 = arith.maximumf %parallel_loop3A_368, %parallel_loop3A_370 : vector<16xf32>
          %parallel_loop3A_372 = arith.mulf %parallel_loop3A_365, %parallel_loop3A_371 : vector<16xf32>
          %parallel_loop3A_373 = arith.addf %select_n3A_218, %parallel_loop3A_340 : vector<16xf32>
          %parallel_loop3A_374 = arith.subf %parallel_loop3A_373, %parallel_loop3A_372 : vector<16xf32>
          %parallel_loop3A_375 = arith.constant 9.99999996E-13 : f32
          %parallel_loop3A_376 = vector.broadcast %parallel_loop3A_375 : f32 to vector<16xf32>
          %parallel_loop3A_377 = arith.maximumf %parallel_loop3A_374, %parallel_loop3A_376 : vector<16xf32>
          %parallel_loop3A_378 = arith.divf %parallel_loop3A_372, %parallel_loop3A_377 : vector<16xf32>
          %parallel_loop3A_379 = arith.constant 1.000000e-01 : f32
          %parallel_loop3A_380 = vector.broadcast %parallel_loop3A_379 : f32 to vector<16xf32>
          %parallel_loop3A_381 = arith.cmpf ogt, %parallel_loop3A_359, %parallel_loop3A_380 : vector<16xf32>
          %parallel_loop3A_382 = arith.constant 1.000000e-01 : f32
          %parallel_loop3A_383 = vector.broadcast %parallel_loop3A_382 : f32 to vector<16xf32>
          %parallel_loop3A_384 = arith.cmpf ogt, %parallel_loop3A_378, %parallel_loop3A_383 : vector<16xf32>
          %parallel_loop3A_385 = arith.ori %parallel_loop3A_381, %parallel_loop3A_384 : vector<16xi1>
          %parallel_loop3A_386 = arith.constant 16 : i32
          %parallel_loop3A_387 = arith.muli %parallel_loop3A_315, %parallel_loop3A_386 : i32
          %parallel_loop3A_388 = arith.index_cast %parallel_loop3A_387 : i32 to index
          %parallel_loop3A_389 = tpu.vector_load %arg14[%parallel_loop3A_388] {strides = array<i32>} : memref<5312xf32, #tpu.memory_space<vmem>>, vector<16xf32>,
          %parallel_loop3A_390 = arith.select %parallel_loop3A_385, %broadcast_in_dim3A_4, %parallel_loop3A_389 : vector<16xi1>, vector<16xf32>
          %parallel_loop3A_391 = arith.constant 16 : i32
          %parallel_loop3A_392 = arith.muli %parallel_loop3A_315, %parallel_loop3A_391 : i32
          %parallel_loop3A_393 = arith.index_cast %parallel_loop3A_392 : i32 to index
          %parallel_loop3A_394 = tpu.vector_load %arg14[%parallel_loop3A_393] {strides = array<i32>} : memref<5312xf32, #tpu.memory_space<vmem>>, vector<16xf32>,
          tpu.vector_store %arg14[%parallel_loop3A_393], %parallel_loop3A_390 {strides = array<i32>} : memref<5312xf32, #tpu.memory_space<vmem>>, vector<16xf32>,
          %parallel_loop3A_395 = arith.constant 16 : i32
          %parallel_loop3A_396 = arith.muli %parallel_loop3A_315, %parallel_loop3A_395 : i32
          %parallel_loop3A_397 = vector.broadcast %parallel_loop3A_396 : i32 to vector<16xi32>
          %parallel_loop3A_398 = arith.addi %iota3A, %parallel_loop3A_397 : vector<16xi32>
          %parallel_loop3A_399 = arith.cmpf ogt, %parallel_loop3A_390, %parallel_loop3A_316 : vector<16xf32>
          %parallel_loop3A_400 = arith.constant dense<true> : vector<16xi1>
          %parallel_loop3A_401 = arith.xori %parallel_loop3A_399, %parallel_loop3A_400 : vector<16xi1>
          %parallel_loop3A_402 = arith.cmpf ogt, %parallel_loop3A_390, %parallel_loop3A_318 : vector<16xf32>
          %parallel_loop3A_403 = arith.andi %parallel_loop3A_401, %parallel_loop3A_402 : vector<16xi1>
          %parallel_loop3A_404 = arith.select %parallel_loop3A_403, %parallel_loop3A_390, %parallel_loop3A_318 : vector<16xi1>, vector<16xf32>
          %parallel_loop3A_405 = arith.select %parallel_loop3A_399, %parallel_loop3A_316, %parallel_loop3A_404 : vector<16xi1>, vector<16xf32>
          %parallel_loop3A_406 = arith.select %parallel_loop3A_403, %parallel_loop3A_398, %parallel_loop3A_319 : vector<16xi1>, vector<16xi32>
          %parallel_loop3A_407 = arith.select %parallel_loop3A_399, %parallel_loop3A_317, %parallel_loop3A_406 : vector<16xi1>, vector<16xi32>
          %parallel_loop3A_408 = arith.select %parallel_loop3A_399, %parallel_loop3A_390, %parallel_loop3A_316 : vector<16xi1>, vector<16xf32>
          %parallel_loop3A_409 = arith.select %parallel_loop3A_399, %parallel_loop3A_398, %parallel_loop3A_317 : vector<16xi1>, vector<16xi32>
          %parallel_loop3A_410 = arith.constant -9.99999993E+36 : f32
          %parallel_loop3A_411 = vector.broadcast %parallel_loop3A_410 : f32 to vector<16xf32>
          %parallel_loop3A_412 = arith.cmpf ogt, %parallel_loop3A_390, %parallel_loop3A_411 : vector<16xf32>
          %parallel_loop3A_413 = vector.broadcast %parallel_loop3A_315 : i32 to vector<16xi32>
          %parallel_loop3A_414 = arith.select %parallel_loop3A_412, %parallel_loop3A_413, %parallel_loop3A_320 : vector<16xi1>, vector<16xi32>
          scf.yield %parallel_loop3A_408, %parallel_loop3A_409, %parallel_loop3A_405, %parallel_loop3A_407, %parallel_loop3A_414 : vector<16xf32>, vector<16xi32>, vector<16xf32>, vector<16xi32>, vector<16xi32>
        } {sc.loop_unroll_factor = 4 : i64, sc.parallel_access}
        %reduce_max3A_222 = arith.constant true
        %reduce_max3A_223 = vector.broadcast %reduce_max3A_222 : i1 to vector<16xi1>
        %reduce_max3A_224 = tpu.scan <max>, %parallel_loop3A_221#0 masked %reduce_max3A_223 : vector<16xf32>, vector<16xi1> -> vector<16xf32>
        %reduce_max3A_225 = vector.extract %reduce_max3A_224[15] : f32 from vector<16xf32>
        %eq3A_226 = vector.broadcast %reduce_max3A_225 : f32 to vector<16xf32>
        %eq3A_227 = arith.cmpf oeq, %parallel_loop3A_221#0, %eq3A_226 : vector<16xf32>
        %broadcast_in_dim3A_228 = vector.broadcast %while3A : i32 to vector<16xi32>
        %select_n3A_229 = arith.select %eq3A_227, %parallel_loop3A_221#1, %broadcast_in_dim3A_228 : vector<16xi1>, vector<16xi32>
        %reduce_min3A_230 = arith.constant true
        %reduce_min3A_231 = vector.broadcast %reduce_min3A_230 : i1 to vector<16xi1>
        %reduce_min3A_232 = arith.constant -2147483648 : i32
        %reduce_min3A_233 = vector.broadcast %reduce_min3A_232 : i32 to vector<16xi32>
        %reduce_min3A_234 = arith.xori %select_n3A_229, %reduce_min3A_233 : vector<16xi32>
        %reduce_min3A_235 = tpu.scan <min>, %reduce_min3A_234 masked %reduce_min3A_231 : vector<16xi32>, vector<16xi1> -> vector<16xi32>
        %reduce_min3A_236 = arith.xori %reduce_min3A_235, %reduce_min3A_233 : vector<16xi32>
        %reduce_min3A_237 = vector.extract %reduce_min3A_236[15] : i32 from vector<16xi32>
        %eq3A_238 = vector.broadcast %reduce_max3A_225 : f32 to vector<16xf32>
        %eq3A_239 = arith.cmpf oeq, %parallel_loop3A_221#0, %eq3A_238 : vector<16xf32>
        %eq3A_240 = vector.broadcast %reduce_min3A_237 : i32 to vector<16xi32>
        %eq3A_241 = arith.cmpi eq, %parallel_loop3A_221#1, %eq3A_240 : vector<16xi32>
        %and3A_242 = arith.andi %eq3A_239, %eq3A_241 : vector<16xi1>
        %select_n3A_243 = arith.select %and3A_242, %parallel_loop3A_221#2, %parallel_loop3A_221#0 : vector<16xi1>, vector<16xf32>
        %select_n3A_244 = arith.select %and3A_242, %parallel_loop3A_221#3, %parallel_loop3A_221#1 : vector<16xi1>, vector<16xi32>
        %reduce_max3A_245 = arith.constant true
        %reduce_max3A_246 = vector.broadcast %reduce_max3A_245 : i1 to vector<16xi1>
        %reduce_max3A_247 = tpu.scan <max>, %select_n3A_243 masked %reduce_max3A_246 : vector<16xf32>, vector<16xi1> -> vector<16xf32>
        %reduce_max3A_248 = vector.extract %reduce_max3A_247[15] : f32 from vector<16xf32>
        %eq3A_249 = vector.broadcast %reduce_max3A_248 : f32 to vector<16xf32>
        %eq3A_250 = arith.cmpf oeq, %select_n3A_243, %eq3A_249 : vector<16xf32>
        %broadcast_in_dim3A_251 = vector.broadcast %while3A : i32 to vector<16xi32>
        %select_n3A_252 = arith.select %eq3A_250, %select_n3A_244, %broadcast_in_dim3A_251 : vector<16xi1>, vector<16xi32>
        %reduce_min3A_253 = arith.constant true
        %reduce_min3A_254 = vector.broadcast %reduce_min3A_253 : i1 to vector<16xi1>
        %reduce_min3A_255 = arith.constant -2147483648 : i32
        %reduce_min3A_256 = vector.broadcast %reduce_min3A_255 : i32 to vector<16xi32>
        %reduce_min3A_257 = arith.xori %select_n3A_252, %reduce_min3A_256 : vector<16xi32>
        %reduce_min3A_258 = tpu.scan <min>, %reduce_min3A_257 masked %reduce_min3A_254 : vector<16xi32>, vector<16xi1> -> vector<16xi32>
        %reduce_min3A_259 = arith.xori %reduce_min3A_258, %reduce_min3A_256 : vector<16xi32>
        %reduce_min3A_260 = vector.extract %reduce_min3A_259[15] : i32 from vector<16xi32>
        %reduce_max3A_261 = arith.constant true
        %reduce_max3A_262 = vector.broadcast %reduce_max3A_261 : i1 to vector<16xi1>
        %reduce_max3A_263 = arith.constant -2147483648 : i32
        %reduce_max3A_264 = vector.broadcast %reduce_max3A_263 : i32 to vector<16xi32>
        %reduce_max3A_265 = arith.xori %parallel_loop3A_221#4, %reduce_max3A_264 : vector<16xi32>
        %reduce_max3A_266 = tpu.scan <max>, %reduce_max3A_265 masked %reduce_max3A_262 : vector<16xi32>, vector<16xi1> -> vector<16xi32>
        %reduce_max3A_267 = arith.xori %reduce_max3A_266, %reduce_max3A_264 : vector<16xi32>
        %reduce_max3A_268 = vector.extract %reduce_max3A_267[15] : i32 from vector<16xi32>
        %add3A_269 = arith.constant 1 : i32
        %add3A_270 = arith.addi %reduce_max3A_268, %add3A_269 : i32
        %jit3A_271 = arith.constant 2 : i32
        %jit3A_272 = arith.constant 1 : i32
        %select_n3A_273 = arith.select %and3A_175, %jit3A_271, %jit3A_272 : i32
        %add3A_274 = arith.addi %while3A_101, %select_n3A_273 : i32
        %eq3A_275 = arith.constant 0 : i32
        %eq3A_276 = vector.broadcast %eq3A_275 : i32 to vector<16xi32>
        %eq3A_277 = arith.cmpi eq, %iota3A, %eq3A_276 : vector<16xi32>
        %broadcast_in_dim3A_278 = arith.constant -1.000000e+00 : f32
        %broadcast_in_dim3A_279 = vector.broadcast %broadcast_in_dim3A_278 : f32 to vector<16xf32>
        %select_n3A_280 = arith.select %eq3A_277, %broadcast_in_dim3A_279, %broadcast_in_dim3A_6 : vector<16xi1>, vector<16xf32>
        %swap3A = arith.constant 0 : index
        %swap3A_281 = tpu.vector_load %arg21[%swap3A] {strides = array<i32>} : memref<16xf32, #tpu.memory_space<vmem>>, vector<16xf32>,
        tpu.vector_store %arg21[%swap3A], %select_n3A_280 {strides = array<i32>} : memref<16xf32, #tpu.memory_space<vmem>>, vector<16xf32>,
        %and3A_282 = arith.constant 7 : i32
        %and3A_283 = arith.andi %while3A_107, %and3A_282 : i32
        %eq3A_284 = arith.constant 7 : i32
        %eq3A_285 = arith.cmpi eq, %and3A_283, %eq3A_284 : i32
        %gt3A_286 = arith.constant -9.99999993E+36 : f32
        %gt3A_287 = arith.cmpf ogt, %reduce_max3A_225, %gt3A_286 : f32
        %and3A_288 = arith.andi %eq3A_285, %gt3A_287 : i1
        %convert_element_type3A_289 = arith.extui %and3A_288 : i1 to i32
        %cond3A_290 = arith.constant 0 : i32
        %cond3A_291 = arith.cmpi ne, %convert_element_type3A_289, %cond3A_290 : i32
        scf.if %cond3A_291 {
          %broadcast_in_dim3A_315 = vector.broadcast %reduce_min3A_237 : i32 to vector<16xi32>
          %broadcast_in_dim3A_316 = vector.broadcast %reduce_min3A_260 : i32 to vector<16xi32>
          %broadcast_in_dim3A_317 = vector.broadcast %while3A : i32 to vector<16xi32>
          %while3A_318 = arith.constant 0 : i32
          %while3A_319 = arith.constant 0.000000e+00 : f32
          %while3A_320 = arith.subi %add3A_270, %while3A_318 : i32
          %while3A_321 = arith.addi %while3A_318, %while3A_320 : i32
          %while3A_322 = arith.constant 1 : i32
          %while3A_323 = arith.divsi %while3A_320, %while3A_322 : i32
          %while3A_324 = arith.muli %while3A_323, %while3A_322 : i32
          %while3A_325 = arith.addi %while3A_318, %while3A_324 : i32
          %while3A_326 = arith.constant 1 : i32
          %while3A_327:3 = scf.for %while3A_375 = %while3A_318 to %while3A_325 step %while3A_326 iter_args(%while3A_376 = %while3A_319, %while3A_377 = %broadcast_in_dim3A_317, %while3A_378 = %broadcast_in_dim3A_317) -> (f32, vector<16xi32>, vector<16xi32>)  : i32 {
            %mul3A_379 = arith.constant 16 : i32
            %mul3A_380 = arith.muli %while3A_375, %mul3A_379 : i32
            %get3A_381 = arith.index_cast %mul3A_380 : i32 to index
            %get3A_382 = tpu.vector_load %arg14[%get3A_381] {strides = array<i32>} : memref<5312xf32, #tpu.memory_space<vmem>>, vector<16xf32>,
            %gt3A_383 = arith.constant -9.99999993E+36 : f32
            %gt3A_384 = vector.broadcast %gt3A_383 : f32 to vector<16xf32>
            %gt3A_385 = arith.cmpf ogt, %get3A_382, %gt3A_384 : vector<16xf32>
            %select_n3A_386 = arith.select %gt3A_385, %broadcast_in_dim3A_13, %broadcast_in_dim3A_6 : vector<16xi1>, vector<16xf32>
            %broadcast_in_dim3A_387 = arith.constant true
            %broadcast_in_dim3A_388 = vector.broadcast %broadcast_in_dim3A_387 : i1 to vector<16xi1>
            %masked_cumsum3A = tpu.scan <sum>, %select_n3A_386 masked %broadcast_in_dim3A_388 : vector<16xf32>, vector<16xi1> -> vector<16xf32>
            %sub3A_389 = arith.constant 1.000000e+00 : f32
            %sub3A_390 = arith.subf %while3A_376, %sub3A_389 : f32
            %add3A_391 = vector.broadcast %sub3A_390 : f32 to vector<16xf32>
            %add3A_392 = arith.addf %masked_cumsum3A, %add3A_391 : vector<16xf32>
            %convert_element_type3A_393 = arith.fptosi %add3A_392 : vector<16xf32> to vector<16xi32>
            %mul3A_394 = arith.constant 16 : i32
            %mul3A_395 = arith.muli %while3A_375, %mul3A_394 : i32
            %get3A_396 = arith.index_cast %mul3A_395 : i32 to index
            %get3A_397 = tpu.vector_load %arg15[%get3A_396] {strides = array<i32>} : memref<5328xf32, #tpu.memory_space<vmem>>, vector<16xf32>,
            %mul3A_398 = arith.constant 16 : i32
            %mul3A_399 = arith.muli %while3A_375, %mul3A_398 : i32
            %get3A_400 = arith.index_cast %mul3A_399 : i32 to index
            %get3A_401 = tpu.vector_load %arg16[%get3A_400] {strides = array<i32>} : memref<5328xf32, #tpu.memory_space<vmem>>, vector<16xf32>,
            %mul3A_402 = arith.constant 16 : i32
            %mul3A_403 = arith.muli %while3A_375, %mul3A_402 : i32
            %get3A_404 = arith.index_cast %mul3A_403 : i32 to index
            %get3A_405 = tpu.vector_load %arg17[%get3A_404] {strides = array<i32>} : memref<5328xf32, #tpu.memory_space<vmem>>, vector<16xf32>,
            %mul3A_406 = arith.constant 16 : i32
            %mul3A_407 = arith.muli %while3A_375, %mul3A_406 : i32
            %get3A_408 = arith.index_cast %mul3A_407 : i32 to index
            %get3A_409 = tpu.vector_load %arg18[%get3A_408] {strides = array<i32>} : memref<5328xf32, #tpu.memory_space<vmem>>, vector<16xf32>,
            %mul3A_410 = arith.constant 16 : i32
            %mul3A_411 = arith.muli %while3A_375, %mul3A_410 : i32
            %get3A_412 = arith.index_cast %mul3A_411 : i32 to index
            %get3A_413 = tpu.vector_load %arg19[%get3A_412] {strides = array<i32>} : memref<5328xf32, #tpu.memory_space<vmem>>, vector<16xf32>,
            tpu.vector_store_idx %arg14[%convert_element_type3A_393], %get3A_382 masked %gt3A_385 : memref<5312xf32, #tpu.memory_space<vmem>>[vector<16xi32>], vector<16xf32>, vector<16xi1>
            tpu.vector_store_idx %arg15[%convert_element_type3A_393], %get3A_397 masked %gt3A_385 : memref<5328xf32, #tpu.memory_space<vmem>>[vector<16xi32>], vector<16xf32>, vector<16xi1>
            tpu.vector_store_idx %arg16[%convert_element_type3A_393], %get3A_401 masked %gt3A_385 : memref<5328xf32, #tpu.memory_space<vmem>>[vector<16xi32>], vector<16xf32>, vector<16xi1>
            tpu.vector_store_idx %arg17[%convert_element_type3A_393], %get3A_405 masked %gt3A_385 : memref<5328xf32, #tpu.memory_space<vmem>>[vector<16xi32>], vector<16xf32>, vector<16xi1>
            tpu.vector_store_idx %arg18[%convert_element_type3A_393], %get3A_409 masked %gt3A_385 : memref<5328xf32, #tpu.memory_space<vmem>>[vector<16xi32>], vector<16xf32>, vector<16xi1>
            tpu.vector_store_idx %arg19[%convert_element_type3A_393], %get3A_413 masked %gt3A_385 : memref<5328xf32, #tpu.memory_space<vmem>>[vector<16xi32>], vector<16xf32>, vector<16xi1>
            %mul3A_414 = arith.constant 16 : i32
            %mul3A_415 = arith.muli %while3A_375, %mul3A_414 : i32
            %add3A_416 = vector.broadcast %mul3A_415 : i32 to vector<16xi32>
            %add3A_417 = arith.addi %iota3A, %add3A_416 : vector<16xi32>
            %eq3A_418 = arith.cmpi eq, %add3A_417, %broadcast_in_dim3A_315 : vector<16xi32>
            %and3A_419 = arith.andi %eq3A_418, %gt3A_385 : vector<16xi1>
            %select_n3A_420 = arith.select %and3A_419, %convert_element_type3A_393, %while3A_377 : vector<16xi1>, vector<16xi32>
            %eq3A_421 = arith.cmpi eq, %add3A_417, %broadcast_in_dim3A_316 : vector<16xi32>
            %and3A_422 = arith.andi %eq3A_421, %gt3A_385 : vector<16xi1>
            %select_n3A_423 = arith.select %and3A_422, %convert_element_type3A_393, %while3A_378 : vector<16xi1>, vector<16xi32>
            %reduce_max3A_424 = arith.constant true
            %reduce_max3A_425 = vector.broadcast %reduce_max3A_424 : i1 to vector<16xi1>
            %reduce_max3A_426 = tpu.scan <max>, %masked_cumsum3A masked %reduce_max3A_425 : vector<16xf32>, vector<16xi1> -> vector<16xf32>
            %reduce_max3A_427 = vector.extract %reduce_max3A_426[15] : f32 from vector<16xf32>
            %add3A_428 = arith.addf %while3A_376, %reduce_max3A_427 : f32
            scf.yield %add3A_428, %select_n3A_420, %select_n3A_423 : f32, vector<16xi32>, vector<16xi32>
          }
          %while3A_328 = arith.constant 1 : i32
          %while3A_329:3 = scf.for %while3A_375 = %while3A_325 to %while3A_321 step %while3A_328 iter_args(%while3A_376 = %while3A_327#0, %while3A_377 = %while3A_327#1, %while3A_378 = %while3A_327#2) -> (f32, vector<16xi32>, vector<16xi32>)  : i32 {
            %mul3A_379 = arith.constant 16 : i32
            %mul3A_380 = arith.muli %while3A_375, %mul3A_379 : i32
            %get3A_381 = arith.index_cast %mul3A_380 : i32 to index
            %get3A_382 = tpu.vector_load %arg14[%get3A_381] {strides = array<i32>} : memref<5312xf32, #tpu.memory_space<vmem>>, vector<16xf32>,
            %gt3A_383 = arith.constant -9.99999993E+36 : f32
            %gt3A_384 = vector.broadcast %gt3A_383 : f32 to vector<16xf32>
            %gt3A_385 = arith.cmpf ogt, %get3A_382, %gt3A_384 : vector<16xf32>
            %select_n3A_386 = arith.select %gt3A_385, %broadcast_in_dim3A_13, %broadcast_in_dim3A_6 : vector<16xi1>, vector<16xf32>
            %broadcast_in_dim3A_387 = arith.constant true
            %broadcast_in_dim3A_388 = vector.broadcast %broadcast_in_dim3A_387 : i1 to vector<16xi1>
            %masked_cumsum3A = tpu.scan <sum>, %select_n3A_386 masked %broadcast_in_dim3A_388 : vector<16xf32>, vector<16xi1> -> vector<16xf32>
            %sub3A_389 = arith.constant 1.000000e+00 : f32
            %sub3A_390 = arith.subf %while3A_376, %sub3A_389 : f32
            %add3A_391 = vector.broadcast %sub3A_390 : f32 to vector<16xf32>
            %add3A_392 = arith.addf %masked_cumsum3A, %add3A_391 : vector<16xf32>
            %convert_element_type3A_393 = arith.fptosi %add3A_392 : vector<16xf32> to vector<16xi32>
            %mul3A_394 = arith.constant 16 : i32
            %mul3A_395 = arith.muli %while3A_375, %mul3A_394 : i32
            %get3A_396 = arith.index_cast %mul3A_395 : i32 to index
            %get3A_397 = tpu.vector_load %arg15[%get3A_396] {strides = array<i32>} : memref<5328xf32, #tpu.memory_space<vmem>>, vector<16xf32>,
            %mul3A_398 = arith.constant 16 : i32
            %mul3A_399 = arith.muli %while3A_375, %mul3A_398 : i32
            %get3A_400 = arith.index_cast %mul3A_399 : i32 to index
            %get3A_401 = tpu.vector_load %arg16[%get3A_400] {strides = array<i32>} : memref<5328xf32, #tpu.memory_space<vmem>>, vector<16xf32>,
            %mul3A_402 = arith.constant 16 : i32
            %mul3A_403 = arith.muli %while3A_375, %mul3A_402 : i32
            %get3A_404 = arith.index_cast %mul3A_403 : i32 to index
            %get3A_405 = tpu.vector_load %arg17[%get3A_404] {strides = array<i32>} : memref<5328xf32, #tpu.memory_space<vmem>>, vector<16xf32>,
            %mul3A_406 = arith.constant 16 : i32
            %mul3A_407 = arith.muli %while3A_375, %mul3A_406 : i32
            %get3A_408 = arith.index_cast %mul3A_407 : i32 to index
            %get3A_409 = tpu.vector_load %arg18[%get3A_408] {strides = array<i32>} : memref<5328xf32, #tpu.memory_space<vmem>>, vector<16xf32>,
            %mul3A_410 = arith.constant 16 : i32
            %mul3A_411 = arith.muli %while3A_375, %mul3A_410 : i32
            %get3A_412 = arith.index_cast %mul3A_411 : i32 to index
            %get3A_413 = tpu.vector_load %arg19[%get3A_412] {strides = array<i32>} : memref<5328xf32, #tpu.memory_space<vmem>>, vector<16xf32>,
            tpu.vector_store_idx %arg14[%convert_element_type3A_393], %get3A_382 masked %gt3A_385 : memref<5312xf32, #tpu.memory_space<vmem>>[vector<16xi32>], vector<16xf32>, vector<16xi1>
            tpu.vector_store_idx %arg15[%convert_element_type3A_393], %get3A_397 masked %gt3A_385 : memref<5328xf32, #tpu.memory_space<vmem>>[vector<16xi32>], vector<16xf32>, vector<16xi1>
            tpu.vector_store_idx %arg16[%convert_element_type3A_393], %get3A_401 masked %gt3A_385 : memref<5328xf32, #tpu.memory_space<vmem>>[vector<16xi32>], vector<16xf32>, vector<16xi1>
            tpu.vector_store_idx %arg17[%convert_element_type3A_393], %get3A_405 masked %gt3A_385 : memref<5328xf32, #tpu.memory_space<vmem>>[vector<16xi32>], vector<16xf32>, vector<16xi1>
            tpu.vector_store_idx %arg18[%convert_element_type3A_393], %get3A_409 masked %gt3A_385 : memref<5328xf32, #tpu.memory_space<vmem>>[vector<16xi32>], vector<16xf32>, vector<16xi1>
            tpu.vector_store_idx %arg19[%convert_element_type3A_393], %get3A_413 masked %gt3A_385 : memref<5328xf32, #tpu.memory_space<vmem>>[vector<16xi32>], vector<16xf32>, vector<16xi1>
            %mul3A_414 = arith.constant 16 : i32
            %mul3A_415 = arith.muli %while3A_375, %mul3A_414 : i32
            %add3A_416 = vector.broadcast %mul3A_415 : i32 to vector<16xi32>
            %add3A_417 = arith.addi %iota3A, %add3A_416 : vector<16xi32>
            %eq3A_418 = arith.cmpi eq, %add3A_417, %broadcast_in_dim3A_315 : vector<16xi32>
            %and3A_419 = arith.andi %eq3A_418, %gt3A_385 : vector<16xi1>
            %select_n3A_420 = arith.select %and3A_419, %convert_element_type3A_393, %while3A_377 : vector<16xi1>, vector<16xi32>
            %eq3A_421 = arith.cmpi eq, %add3A_417, %broadcast_in_dim3A_316 : vector<16xi32>
            %and3A_422 = arith.andi %eq3A_421, %gt3A_385 : vector<16xi1>
            %select_n3A_423 = arith.select %and3A_422, %convert_element_type3A_393, %while3A_378 : vector<16xi1>, vector<16xi32>
            %reduce_max3A_424 = arith.constant true
            %reduce_max3A_425 = vector.broadcast %reduce_max3A_424 : i1 to vector<16xi1>
            %reduce_max3A_426 = tpu.scan <max>, %masked_cumsum3A masked %reduce_max3A_425 : vector<16xf32>, vector<16xi1> -> vector<16xf32>
            %reduce_max3A_427 = vector.extract %reduce_max3A_426[15] : f32 from vector<16xf32>
            %add3A_428 = arith.addf %while3A_376, %reduce_max3A_427 : f32
            scf.yield %add3A_428, %select_n3A_420, %select_n3A_423 : f32, vector<16xi32>, vector<16xi32>
          }
          %convert_element_type3A_330 = arith.fptosi %while3A_329#0 : f32 to i32
          %shift_right_arithmetic3A_331 = arith.constant 4 : i32
          %shift_right_arithmetic3A_332 = arith.shrsi %convert_element_type3A_330, %shift_right_arithmetic3A_331 : i32
          %lt3A_333 = arith.cmpi slt, %shift_right_arithmetic3A_332, %add3A_270 : i32
          %convert_element_type3A_334 = arith.extui %lt3A_333 : i1 to i32
          %cond3A_335 = arith.constant 0 : i32
          %cond3A_336 = arith.cmpi ne, %convert_element_type3A_334, %cond3A_335 : i32
          scf.if %cond3A_336 {
            %mul3A_375 = arith.constant 16 : i32
            %mul3A_376 = arith.muli %shift_right_arithmetic3A_332, %mul3A_375 : i32
            %get3A_377 = arith.index_cast %mul3A_376 : i32 to index
            %get3A_378 = tpu.vector_load %arg14[%get3A_377] {strides = array<i32>} : memref<5312xf32, #tpu.memory_space<vmem>>, vector<16xf32>,
            %and3A_379 = arith.constant 15 : i32
            %and3A_380 = arith.andi %convert_element_type3A_330, %and3A_379 : i32
            %ge3A_381 = vector.broadcast %and3A_380 : i32 to vector<16xi32>
            %ge3A_382 = arith.cmpi sge, %iota3A, %ge3A_381 : vector<16xi32>
            %select_n3A_383 = arith.select %ge3A_382, %broadcast_in_dim3A_4, %get3A_378 : vector<16xi1>, vector<16xf32>
            %mul3A_384 = arith.constant 16 : i32
            %mul3A_385 = arith.muli %shift_right_arithmetic3A_332, %mul3A_384 : i32
            %swap3A_386 = arith.index_cast %mul3A_385 : i32 to index
            %swap3A_387 = tpu.vector_load %arg14[%swap3A_386] {strides = array<i32>} : memref<5312xf32, #tpu.memory_space<vmem>>, vector<16xf32>,
            tpu.vector_store %arg14[%swap3A_386], %select_n3A_383 {strides = array<i32>} : memref<5312xf32, #tpu.memory_space<vmem>>, vector<16xf32>,
          } else {
          }
          %add3A_337 = arith.constant 1 : i32
          %add3A_338 = arith.addi %shift_right_arithmetic3A_332, %add3A_337 : i32
          %parallel_loop3A_339 = arith.constant 1 : i32
          scf.for %parallel_loop3A_375 = %add3A_338 to %add3A_270 step %parallel_loop3A_339  : i32 {
            %parallel_loop3A_376 = arith.constant 16 : i32
            %parallel_loop3A_377 = arith.muli %parallel_loop3A_375, %parallel_loop3A_376 : i32
            %parallel_loop3A_378 = arith.index_cast %parallel_loop3A_377 : i32 to index
            %parallel_loop3A_379 = tpu.vector_load %arg14[%parallel_loop3A_378] {strides = array<i32>} : memref<5312xf32, #tpu.memory_space<vmem>>, vector<16xf32>,
            tpu.vector_store %arg14[%parallel_loop3A_378], %broadcast_in_dim3A_4 {strides = array<i32>} : memref<5312xf32, #tpu.memory_space<vmem>>, vector<16xf32>,
          } {sc.loop_unroll_factor = 4 : i64, sc.parallel_access}
          %reduce_min3A_340 = arith.constant true
          %reduce_min3A_341 = vector.broadcast %reduce_min3A_340 : i1 to vector<16xi1>
          %reduce_min3A_342 = arith.constant -2147483648 : i32
          %reduce_min3A_343 = vector.broadcast %reduce_min3A_342 : i32 to vector<16xi32>
          %reduce_min3A_344 = arith.xori %while3A_329#1, %reduce_min3A_343 : vector<16xi32>
          %reduce_min3A_345 = tpu.scan <min>, %reduce_min3A_344 masked %reduce_min3A_341 : vector<16xi32>, vector<16xi1> -> vector<16xi32>
          %reduce_min3A_346 = arith.xori %reduce_min3A_345, %reduce_min3A_343 : vector<16xi32>
          %reduce_min3A_347 = vector.extract %reduce_min3A_346[15] : i32 from vector<16xi32>
          %reduce_min3A_348 = arith.constant true
          %reduce_min3A_349 = vector.broadcast %reduce_min3A_348 : i1 to vector<16xi1>
          %reduce_min3A_350 = arith.constant -2147483648 : i32
          %reduce_min3A_351 = vector.broadcast %reduce_min3A_350 : i32 to vector<16xi32>
          %reduce_min3A_352 = arith.xori %while3A_329#2, %reduce_min3A_351 : vector<16xi32>
          %reduce_min3A_353 = tpu.scan <min>, %reduce_min3A_352 masked %reduce_min3A_349 : vector<16xi32>, vector<16xi1> -> vector<16xi32>
          %reduce_min3A_354 = arith.xori %reduce_min3A_353, %reduce_min3A_351 : vector<16xi32>
          %reduce_min3A_355 = vector.extract %reduce_min3A_354[15] : i32 from vector<16xi32>
          %eq3A_356 = arith.constant 0 : i32
          %eq3A_357 = vector.broadcast %eq3A_356 : i32 to vector<16xi32>
          %eq3A_358 = arith.cmpi eq, %iota3A, %eq3A_357 : vector<16xi32>
          %broadcast_in_dim3A_359 = vector.broadcast %while3A_329#0 : f32 to vector<16xf32>
          %eq3A_360 = arith.constant 1 : i32
          %eq3A_361 = vector.broadcast %eq3A_360 : i32 to vector<16xi32>
          %eq3A_362 = arith.cmpi eq, %iota3A, %eq3A_361 : vector<16xi32>
          %convert_element_type3A_363 = arith.sitofp %reduce_min3A_347 : i32 to f32
          %broadcast_in_dim3A_364 = vector.broadcast %convert_element_type3A_363 : f32 to vector<16xf32>
          %eq3A_365 = arith.constant 2 : i32
          %eq3A_366 = vector.broadcast %eq3A_365 : i32 to vector<16xi32>
          %eq3A_367 = arith.cmpi eq, %iota3A, %eq3A_366 : vector<16xi32>
          %convert_element_type3A_368 = arith.sitofp %reduce_min3A_355 : i32 to f32
          %broadcast_in_dim3A_369 = vector.broadcast %convert_element_type3A_368 : f32 to vector<16xf32>
          %select_n3A_370 = arith.select %eq3A_367, %broadcast_in_dim3A_369, %broadcast_in_dim3A_6 : vector<16xi1>, vector<16xf32>
          %select_n3A_371 = arith.select %eq3A_362, %broadcast_in_dim3A_364, %select_n3A_370 : vector<16xi1>, vector<16xf32>
          %select_n3A_372 = arith.select %eq3A_358, %broadcast_in_dim3A_359, %select_n3A_371 : vector<16xi1>, vector<16xf32>
          %swap3A_373 = arith.constant 0 : index
          %swap3A_374 = tpu.vector_load %arg21[%swap3A_373] {strides = array<i32>} : memref<16xf32, #tpu.memory_space<vmem>>, vector<16xf32>,
          tpu.vector_store %arg21[%swap3A_373], %select_n3A_372 {strides = array<i32>} : memref<16xf32, #tpu.memory_space<vmem>>, vector<16xf32>,
        } else {
        }
        %get3A_292 = arith.constant 0 : index
        %get3A_293 = tpu.vector_load %arg21[%get3A_292] {strides = array<i32>} : memref<16xf32, #tpu.memory_space<vmem>>, vector<16xf32>,
        %slice3A_294 = vector.extract_strided_slice %get3A_293 {offsets = [0], sizes = [1], strides = [1]} : vector<16xf32> to vector<1xf32>
        %squeeze3A_295 = vector.extract %slice3A_294[0] : f32 from vector<1xf32>
        %ge3A = arith.constant 0.000000e+00 : f32
        %ge3A_296 = arith.cmpf oge, %squeeze3A_295, %ge3A : f32
        %convert_element_type3A_297 = arith.fptosi %squeeze3A_295 : f32 to i32
        %add3A_298 = arith.constant 15 : i32
        %add3A_299 = arith.addi %convert_element_type3A_297, %add3A_298 : i32
        %shift_right_arithmetic3A = arith.constant 4 : i32
        %shift_right_arithmetic3A_300 = arith.shrsi %add3A_299, %shift_right_arithmetic3A : i32
        %select_n3A_301 = arith.select %ge3A_296, %shift_right_arithmetic3A_300, %add3A_270 : i32
        %slice3A_302 = vector.extract_strided_slice %get3A_293 {offsets = [1], sizes = [1], strides = [1]} : vector<16xf32> to vector<1xf32>
        %squeeze3A_303 = vector.extract %slice3A_302[0] : f32 from vector<1xf32>
        %convert_element_type3A_304 = arith.fptosi %squeeze3A_303 : f32 to i32
        %select_n3A_305 = arith.select %ge3A_296, %convert_element_type3A_304, %reduce_min3A_237 : i32
        %gt3A_306 = arith.constant -9.99999993E+36 : f32
        %gt3A_307 = arith.cmpf ogt, %reduce_max3A_248, %gt3A_306 : f32
        %and3A_308 = arith.andi %ge3A_296, %gt3A_307 : i1
        %slice3A_309 = vector.extract_strided_slice %get3A_293 {offsets = [2], sizes = [1], strides = [1]} : vector<16xf32> to vector<1xf32>
        %squeeze3A_310 = vector.extract %slice3A_309[0] : f32 from vector<1xf32>
        %convert_element_type3A_311 = arith.fptosi %squeeze3A_310 : f32 to i32
        %select_n3A_312 = arith.select %and3A_308, %convert_element_type3A_311, %reduce_min3A_260 : i32
        %add3A_313 = arith.constant 1 : i32
        %add3A_314 = arith.addi %while3A_107, %add3A_313 : i32
        scf.yield %add3A_274, %reduce_max3A_225, %select_n3A_305, %reduce_max3A_248, %select_n3A_312, %select_n3A_301, %add3A_314 : i32, f32, i32, f32, i32, i32, i32
      }
      "tpu.region"() ({
        %run_scoped3A = tpu.sem_alloc : memref<!tpu.dma_semaphore, #tpu.memory_space<semaphore_mem>>
        %dma_start3A = arith.constant 0 : i32
        %dma_start3A_101 = tpu.memref_slice %arg7[%arg0, %dma_start3A] : memref<2x1504xf32, #tpu.memory_space<hbm>> -> memref<1x1504xf32, #tpu.memory_space<hbm>>
        %dma_start3A_102 = tpu.memref_squeeze %dma_start3A_101 : memref<1x1504xf32, #tpu.memory_space<hbm>> -> memref<1504xf32, #tpu.memory_space<hbm>>
        %dma_start3A_103 = arith.constant 0 : i32
        %dma_start3A_104 = tpu.memref_slice %arg7[%arg0, %dma_start3A_103] : memref<2x1504xf32, #tpu.memory_space<hbm>> -> memref<1x1504xf32, #tpu.memory_space<hbm>>
        %dma_start3A_105 = tpu.memref_squeeze %dma_start3A_104 : memref<1x1504xf32, #tpu.memory_space<hbm>> -> memref<1504xf32, #tpu.memory_space<hbm>>
        tpu.enqueue_dma source(%arg20 : memref<1504xf32, #tpu.memory_space<vmem>>) target(%dma_start3A_105 : memref<1504xf32, #tpu.memory_space<hbm>>) target_semaphore(%run_scoped3A : memref<!tpu.dma_semaphore, #tpu.memory_space<semaphore_mem>>)
        %dma_wait3A = arith.constant 0 : i32
        %dma_wait3A_106 = tpu.memref_slice %arg7[%arg0, %dma_wait3A] : memref<2x1504xf32, #tpu.memory_space<hbm>> -> memref<1x1504xf32, #tpu.memory_space<hbm>>
        %dma_wait3A_107 = tpu.memref_squeeze %dma_wait3A_106 : memref<1x1504xf32, #tpu.memory_space<hbm>> -> memref<1504xf32, #tpu.memory_space<hbm>>
        %dma_wait3A_108 = arith.constant 0 : i32
        %dma_wait3A_109 = tpu.memref_slice %arg7[%arg0, %dma_wait3A_108] : memref<2x1504xf32, #tpu.memory_space<hbm>> -> memref<1x1504xf32, #tpu.memory_space<hbm>>
        %dma_wait3A_110 = tpu.memref_squeeze %dma_wait3A_109 : memref<1x1504xf32, #tpu.memory_space<hbm>> -> memref<1504xf32, #tpu.memory_space<hbm>>
        tpu.wait_dma2 semaphore(%run_scoped3A : memref<!tpu.dma_semaphore, #tpu.memory_space<semaphore_mem>>) src(%arg20 : memref<1504xf32, #tpu.memory_space<vmem>>) dst(%dma_wait3A_110 : memref<1504xf32, #tpu.memory_space<hbm>>)
        tpu.yield
      }) : () -> ()
    } else {
    }
    return
  }
}

</mosaic_0001>

<sc_bundles>
// kernel: kernel.3.cloned.1.call-start
scs
__scs_entry_jumppad:
0x0: {  	(pc) =	sbr.rel $0x88, $3  }
0x1: {  	(tag) =	ssettag $0x0;
	lr =	simm.s32 $0x1  }
0x2: {  	[smem:$0x3F9E] =	sst lr;
	_ =	strace $0xD0000000  }
0x3: {  	_ = 	snop  }
0x4: {  	_ = 	snop  }
0x5: {  	_ = 	snop  }
0x6: {  	_ = 	snop  }
0x7: {  	_ = 	snop  }
__scs_overlays_trampoline_lowered:
0x8: {  	[smem:$0x3FAD] =	sst s0  }
0x9: {  	[smem:$0x3FAE] =	sst s1  }
0xa: {  	[smem:$0x3FAF] =	sst s2  }
0xb: {  	[smem:$0x3FB0] =	sst s3  }
0xc: {  	[smem:$0x3FB1] =	sst s4  }
0xd: {  	[smem:$0x3FB2] =	sst s5  }
0xe: {  	[smem:$0x3FB3] =	sst s6  }
0xf: {  	[smem:$0x3FB4] =	sst s7  }
0x10: {  	[smem:$0x3FB5] =	sst s8  }
0x11: {  	[smem:$0x3FB6] =	sst s9;
	s0 =	simm.s32 @!p0 $0x0  }
0x12: {  	s1 =	sld [smem:$0x3F9C];
	s0 =	simm.s32 @p0 $0x1  }
0x13: {  	[smem:$0x3FB7] =	sst s0;
	s0 =	simm.s32 @!p1 $0x0  }
0x14: {  	s2 =	sld [smem:$0x3F9B];
	s0 =	simm.s32 @p1 $0x1  }
0x15: {  	[smem:$0x3FB8] =	sst s0;
	s0 =	simm.s32 @!p2 $0x0  }
0x16: {  	s3 =	sld [smem:$0x3FDB];
	s0 =	simm.s32 @p2 $0x1  }
0x17: {  	s4 =	simm.s32 $0x1BF5;
	[smem:$0x3FBA] =	sst s0  }
0x18: {  	s0 =	sld [smem:$0x3F9D];
	_ =	swait.ge [sflag:s4], $0x0  }
0x19: {  	s7 =	sld [smem:$0x3F9E]  }
0x1a: {  	s8 =	sadd.s32 $0xFFFFE003, lr  }
0x1b: {  	s9 =	sadd.s32 $0xFFFFFEF7, lr;
	s5 =	simm.s32 $0xFFFFFFFF;
	p2 =	slt.u32 s8, $0xFFFFF086  }
0x1c: {  	p1 =	slt.u32 s9, $0xF7A;
	s5 =	simm.s32 @!p2 $0x0  }
0x1d: {  	s5 =	simm.s32 @p1 $0x1;
	p0 =	seq.s32 s7, s2  }
0x1e: {  	s7 =	smul.u32 @!p0 $0xF7A, s2;
	p2 =	seq.s32 @!p0 s5, $0x0  }
0x1f: {  	s9 =	smul.u32 $0xF7A, s1;
	s8 =	simm.s32 @!p0 $0x1BF5;
	p2 =	por !p2, p0  }
0x20: {  	[sflag:s8] =	ssyncset.s32 @!p0 $0xFFFFF086;
	s6 =	sadd.s32 @!p0 s3, s7;
	s7 =	simm.s32 @!p0 $0x108  }
0x21: {  	s3 =	sadd.s32 s3, s9;
	s6 =	sadd.s32 @!p0 $0x88, s6;
	s7 =	simm.s32 @p2 $0x1082  }
0x22: {  	[simem:s7], [sflag:s8] =	dma.local @!p0 [hbm:s6], $0xF7A  }
0x23: {  	s9 =	sor.u32 $0xD0000000, s2;
	s6 =	simm.s32 $0x108;
	_ =	swait.ge @!p0 [sflag:s8], $0x0  }
0x24: {  	s3 =	sadd.s32 $0x88, s3;
	s6 =	simm.s32 @!p1 $0x1082;
	[sflag:s4] =	ssyncset.s32 $0xFFFFF086  }
0x25: {  	[simem:s6], [sflag:s4] =	dma.local [hbm:s3], $0xF7A  }
0x26: {  	[smem:$0x3F9E] =	sst s1;
	(tag) =	ssettag s2;
	_ =	strace s9  }
0x27: {  	s1 =	sld [smem:$0x3FAE]  }
0x28: {  	s2 =	sld [smem:$0x3FAF]  }
0x29: {  	s4 =	sld [smem:$0x3FB1]  }
0x2a: {  	p0 =	seq.s32 s5, $0x0;
	s5 =	sld [smem:$0x3FB2]  }
0x2b: {  	s6 =	sld [smem:$0x3FB3]  }
0x2c: {  	s7 =	sld [smem:$0x3FB4]  }
0x2d: {  	s3 =	simm.s32 $0x108;
	s8 =	sld [smem:$0x3FB5]  }
0x2e: {  	s3 =	simm.s32 @!p0 $0x1082;
	s9 =	sld [smem:$0x3FB6]  }
0x2f: {  	lr =	sadd.s32 s0, s3;
	s0 =	sld [smem:$0x3FAD]  }
0x30: {  	s3 =	sld [smem:$0x3FB0]  }
0x31: {  	[smem:$0x3FB9] =	sst s10  }
0x32: {  	s10 =	sld [smem:$0x3FB7];
	_ =	sdelay $0x3  }
0x33: {  	p0 =	seq.s32 s10, $0x1;
	s10 =	sld [smem:$0x3FB9];
	_ =	sdelay $0x3  }
0x34: {  	[smem:$0x3FB9] =	sst s10  }
0x35: {  	s10 =	sld [smem:$0x3FB8];
	_ =	sdelay $0x3  }
0x36: {  	p1 =	seq.s32 s10, $0x1;
	s10 =	sld [smem:$0x3FB9];
	_ =	sdelay $0x3  }
0x37: {  	[smem:$0x3FB9] =	sst s10  }
0x38: {  	s10 =	sld [smem:$0x3FBA]  }
0x39: {  	_ = 	snop;
	(pc) =	sbr.ind lr, $3  }
0x3a: {  	_ = 	snop  }
0x3b: {  	_ = 	snop  }
0x3c: {  	p2 =	seq.s32 s10, $0x1;
	s10 =	sld [smem:$0x3FB9]  }
0x3d: {  	_ =	shalt  }
0x3e: {  	_ =	shalt  }
0x3f: {  	_ =	shalt  }
0x40: {  	_ =	shalt  }
0x41: {  	_ =	shalt  }
0x42: {  	_ =	shalt  }
0x43: {  	_ =	shalt  }
0x44: {  	_ =	shalt  }
0x45: {  	_ =	shalt  }
0x46: {  	_ =	shalt  }
0x47: {  	_ =	shalt  }
0x48: {  	_ =	shalt  }
0x49: {  	_ =	shalt  }
0x4a: {  	_ =	shalt  }
0x4b: {  	_ =	shalt  }
0x4c: {  	_ =	shalt  }
0x4d: {  	_ =	shalt  }
0x4e: {  	_ =	shalt  }
0x4f: {  	_ =	shalt  }
0x50: {  	_ =	shalt  }
0x51: {  	_ =	shalt  }
0x52: {  	_ =	shalt  }
0x53: {  	_ =	shalt  }
0x54: {  	_ =	shalt  }
0x55: {  	_ =	shalt  }
0x56: {  	_ =	shalt  }
0x57: {  	_ =	shalt  }
0x58: {  	_ =	shalt  }
0x59: {  	_ =	shalt  }
0x5a: {  	_ =	shalt  }
0x5b: {  	_ =	shalt  }
0x5c: {  	_ =	shalt  }
0x5d: {  	_ =	shalt  }
0x5e: {  	_ =	shalt  }
0x5f: {  	_ =	shalt  }
0x60: {  	_ =	shalt  }
0x61: {  	_ =	shalt  }
0x62: {  	_ =	shalt  }
0x63: {  	_ =	shalt  }
0x64: {  	_ =	shalt  }
0x65: {  	_ =	shalt  }
0x66: {  	_ =	shalt  }
0x67: {  	_ =	shalt  }
0x68: {  	_ =	shalt  }
0x69: {  	_ =	shalt  }
0x6a: {  	_ =	shalt  }
0x6b: {  	_ =	shalt  }
0x6c: {  	_ =	shalt  }
0x6d: {  	_ =	shalt  }
0x6e: {  	_ =	shalt  }
0x6f: {  	_ =	shalt  }
0x70: {  	_ =	shalt  }
0x71: {  	_ =	shalt  }
0x72: {  	_ =	shalt  }
0x73: {  	_ =	shalt  }
0x74: {  	_ =	shalt  }
0x75: {  	_ =	shalt  }
0x76: {  	_ =	shalt  }
0x77: {  	_ =	shalt  }
0x78: {  	_ =	shalt  }
0x79: {  	_ =	shalt  }
0x7a: {  	_ =	shalt  }
0x7b: {  	_ =	shalt  }
0x7c: {  	_ =	shalt  }
0x7d: {  	_ =	shalt  }
0x7e: {  	_ =	shalt  }
0x7f: {  	_ =	shalt  }
0x80: {  	_ =	shalt  }
0x81: {  	_ =	shalt  }
0x82: {  	_ =	shalt  }
0x83: {  	_ =	shalt  }
0x84: {  	_ =	shalt  }
0x85: {  	_ =	shalt  }
0x86: {  	_ =	shalt  }
0x87: {  	_ =	shalt  }
.Lfunc_end0:
.L_simem_size_0:
called_computation_lowered:
.L_overlay_start_0:
0x88: {  	s2 =	sld [smem:$0x3FD9]  }
0x89: {  	s3 =	sld [smem:$0x3FFE];
	_ =	sdelay $0x1  }
0x8a: {  	s1 =	srdreg.scid  }
0x8b: {  	s0 =	sand.u32 $0x1, s1  }
0x8c: {  	s17 =	sshll.u32 s0, $0xA;
	s2 =	sadd.s32 s3, s2  }
0x8d: {  	s2 =	sadd.s32 s2, s17  }
0x8e: {  	[smem:$0x3FC5] =	sst s2  }
0x8f: {  	_ = 	snop  }
0x90: {  	s2 =	sld [smem:$0x3FD0];
	(tm) =	ssettm $0x1  }
0x91: {  	s18 =	sld [smem:$0x3FFB];
	_ =	sdelay $0x3  }
0x92: {  	_ =	strace s18  }
0x93: {  	s3 =	sld [smem:$0x3FFC];
	_ =	sdelay $0x3  }
0x94: {  	_ =	strace s3  }
0x95: {  	s3 =	sld [smem:$0x3FFD];
	_ =	sdelay $0x3  }
0x96: {  	_ =	strace s3  }
0x97: {  	_ =	strace $0x8FFFFFFF  }
0x98: {  	s19 =	sld [smem:$0x3FDB];
	_ =	sdelay $0x1  }
0x99: {  	s4 =	simm.s32 $_scs_section_size  }
0x9a: {  	s5 =	simm.s32 $_size__tile_overlayer_lowered;
	s6 =	simm.s32 $_tile_overlayer_lowered  }
0x9b: {  	s22 =	simm.s32 $0x1BFF;
	s21 =	sshll.u32 s6, $0x1;
	s3 =	sadd.s32 s4, s19  }
0x9c: {  	s7 =	simm.s32 $0x0;
	s20 =	sshll.u32 s5, $0x1;
	s5 =	sadd.s32 s21, s3  }
0x9d: {  	[timem:s7], [sflag:s22] =	dma.local [hbm:s5], s20  }
0x9e: {  	_ =	swait.ge [sflag:s22], s20  }
0x9f: {  	s4 =	ssub.s32 $0x0, s20;
	[sflag:s22] =	ssyncset.done $0x0  }
0xa0: {  	[sflag:s22] =	ssyncadd.s32 s4;
	_ =	sdelay $0x1  }
0xa1: {  	s23 =	simm.s32 $0x1B8B  }
0xa2: {  	_ =	swait.ge [sflag:s23], $0x1  }
0xa3: {  	[sflag:s23] =	ssyncset.done $0x0  }
0xa4: {  	s25 =	simm.s32 $0x1B8E;
	s24 =	sld [smem:$0x3FFE];
	[sflag:s23] =	ssyncadd.s32 $0xFFFFFFFF  }
0xa5: {  	s26 =	simm.s32 $execute0_lowered;
	[smem:$0x3FD2] =	sst s25  }
0xa6: {  	s5 =	sshll.u32 s26, $0x1;
	_ =	strace $0x80000046;
	[dreg:$0x1] =	wrdreg $0xFFFFFFFF  }
0xa7: {  	s28 =	simm.s32 $_size_execute0_lowered;
	s3 =	sadd.s32 s3, s5;
	[dreg:$0x0] =	wrdreg $0x0  }
0xa8: {  	s5 =	sshll.u32 s28, $0x1;
	[dreg:$0x2] =	wrdreg s3  }
0xa9: {  	[dreg:$0x3] =	wrdreg s5  }
0xaa: {  	[dreg:$0x4] =	wrdreg $0xC0  }
0xab: {  	_ =	task [dreg:s7], $0x5FFFF  }
0xac: {  	[dreg:$0x1] =	wrdreg $0xFFFFFFFF  }
0xad: {  	[dreg:$0x0] =	wrdreg $0x60  }
0xae: {  	[dreg:$0x2] =	wrdreg s24  }
0xaf: {  	[dreg:$0x3] =	wrdreg s2  }
0xb0: {  	[dreg:$0x4] =	wrdreg $0x9  }
0xb1: {  	_ =	task.clear_ibuf [dreg:s7], $0x5FFFF;
	_ =	strace $0x90000046  }
0xb2: {  	s29 =	simm.s32 $0x9;
	_ =	strace $0x80000048  }
0xb3: {  	_ =	swait.ge [sflag:s29], $0x1  }
0xb4: {  	[sflag:s29] =	ssyncadd.s32 $0xFFFFFFFF  }
0xb5: {  	_ =	strace $0x90000048  }
0xb6: {  	_ =	sfence  }
0xb7: {  	s30 =	sld [smem:$0x0];
	_ =	sdelay $0x2  }
0xb8: {  	s31 =	sshll.u32 s1, $0xD;
	s1 =	sshrl.u32 s1, $0x2  }
0xb9: {  	s3 =	sand.u32 $0x4000, s31;
	s1 =	sadd.s32 s1, s30  }
0xba: {  	s0 =	sor.u32 s3, s0;
	s1 =	sshll.u32 s1, $0x11  }
0xbb: {  	s0 =	sor.u32 s1, s0  }
0xbc: {  	s0 =	sadd.s32 $0x8F2B, s0  }
0xbd: {  	[sflag:s0] =	ssyncadd.remote.s32 $0x1  }
0xbe: {  	_ =	sfence.sel $0xFFFF  }
0xbf: {  	[dreg:$0x0] =	wrdreg $0xFFFFFFFF;
	(pc) =	sbr.abs _section_cstart, $3  }
0xc0: {  	[dreg:$0x1] =	wrdreg $0xFFFFFFFF  }
0xc1: {  	_ =	task.clear_ibuf [dreg:s7], $0x2FFFF;
	_ =	strace $0x9FFFFFFF  }
0xc2: {  	(tm) =	ssettm $0x7FFFFFFF  }
0xc3: {  	_ =	shalt  }
tec
execute0_lowered:
.L_overlay_start_1:
0x0: {  	(tag) =	ssettag $0x1  }
0x1: {  	s1 =	stileid.u32  }
0x2: {  	p0 =	sne.s32 s1, $0x0  }
.Ltmp0:
0x3: {  	_ = 	snop;
	(pc) =	sbr.rel @!p0 .LBB2_1-.Ltmp0, $4  }
0x4: {  	_ = 	snop  }
0x5: {  	s2 =	simm.s32 $0x0  }
0x6: {  	[smem:$0x7FF] =	sst s2  }
0x7: {  	s0 =	rddreg [dreg:$0x1];
	_ =	strace $0x80000047  }
.LBB2_51:
0x8: {  	_ =	sfence.sel $0x180000  }
0x9: {  	[bflag:$0x0] =	sbarrier.arrive $0xFFFF  }
0xa: {  	_ =	strace $0x90000047  }
0xb: {  	[bflag:$0x2] =	sbarrier.arrive $0xFFFF  }
0xc: {  	s0 =	rddreg [dreg:$0x2]  }
0xd: {  	s0 =	sadd.s32 @!p0 $0x100000, s0  }
0xe: {  	[sflag:s0] =	ssyncadd.tile.s32 @!p0 $0x1;
	_ =	shalt  }
.LBB2_1:
0xf: {  	s2 =	rddreg [dreg:$0x0];
	s29 =	srdreg.scid;
	s4 =	simm.f32 $1.000000000e+00  }
0x10: {  	s10 =	simm.s32 $0x1500;
	s11 =	simm.s32 $0x2A00;
	s12 =	simm.s32 $0x3F00  }
0x11: {  	s13 =	simm.s32 $0x5400;
	s14 =	simm.s32 $0x6900;
	s15 =	simm.s32 $0x7E00  }
0x12: {  	s26 =	simm.s32 $0xFC00;
	s17 =	simm.s32 $0x9300;
	s1 =	sadd.s32 $0x1000, s2  }
0x13: {  	s18 =	simm.s32 $0xA800;
	s28 =	sadd.s32 $0xC00, s2;
	[dreg:$0x3] =	wrdreg s1  }
0x14: {  	s19 =	simm.s32 $0xBD00;
	s3 =	sadd.s32 $0x800, s2;
	[dreg:$0x4] =	wrdreg s28  }
0x15: {  	s20 =	simm.s32 $0xD200;
	s2 =	sadd.s32 $0x400, s2;
	[dreg:$0x5] =	wrdreg s3  }
0x16: {  	s21 =	simm.s32 $0xE700;
	[dreg:$0x6] =	wrdreg s2;
	s1 =	sand.u32 $0x1, s29  }
.Ltmp1:
0x17: {  	s2 =	simm.f32 $1.250000000e+00;
	s30 =	ssub.s32 $0x2, s1;
	(pc) =	sbr.rel .LBB2_2-.Ltmp1, $4  }
0x18: {  	p1 =	seq.s32 s1, $0x0;
	s1 =	sshll.u32 s1, $0x4;
	s5 =	sshrl.u32 s30, $0x1  }
0x19: {  	s2 =	simm.s32 @!p1 $0x3F800000;
	s0 =	sadd.s32 s0, s1;
	s3 =	ssub.s32 s30, s5  }
0x1a: {  	v2 =	vimm.f32 $-3.000000010e+38;
	v3 =	vimm.s32 $0x0;
	v4 =	vimm.f32 $0.0e+00;
	s4 =	simm.s32 @!p1 $0x3F4CCCCD;
	[dreg:$0x7] =	wrdreg s0;
	s31 =	smax.u32 s3, $0x1  }
0x1b: {  	v5 =	vlaneseq.u32;
	s1 =	simm.s32 $0x0;
	v0 =	vmov s2;
	v1 =	vmov s4;
	s3 =	simm.s32 $0x1;
	[dreg:$0x8] =	wrdreg s31  }
.LBB2_50:
0x1c: {  	s0 =	rddreg [dreg:$0x7]  }
0x1d: {  	s1 =	simm.s32 $0x80;
	s2 =	simm.s32 $0x100;
	s3 =	simm.s32 $0x1  }
0x1e: {  	[hbm4b:s0+s1] =	stream.strided.scatter [tilespmem:s26], [sflag:$0x1], $0x600, s2, s1, $0x38;
	[tilespmem:$0x10280] =	vst v63  }
0x1f: {  	_ =	swait.ge [sflag:s3], $0x600  }
0x20: {  	s30 =	rddreg [dreg:$0x9]  }
0x21: {  	s31 =	rddreg [dreg:$0x8];
	s1 =	sadd.s32 $0x1, s30  }
0x22: {  	p1 =	sne.s32 s1, s31  }
.Ltmp2:
0x23: {  	_ = 	snop;
	(pc) =	sbr.rel @!p1 .LBB2_51-.Ltmp2, $3  }
0x24: {  	_ =	sdelay $0x1  }
0x25: {  	[sflag:s3] =	ssyncset.done $0x0  }
0x26: {  	[sflag:s3] =	ssyncadd.s32 $0xFFFFFA00  }
.LBB2_2:
0x27: {  	[dreg:$0x9] =	wrdreg s1  }
0x28: {  	s25 =	simm.s32 $0x0;
	s0 =	rddreg [dreg:$0x3]  }
0x29: {  	[tilespmem:s25], [sflag:$0x1] =	stream.linear.gather [hbm4b:s0+s25], $0x1500, $0x38;
	[tilespmem:$0x10280] =	vst v63  }
0x2a: {  	_ =	swait.ge [sflag:s3], $0x1500  }
0x2b: {  	[sflag:s3] =	ssyncset.done $0x0  }
0x2c: {  	s28 =	rddreg [dreg:$0x4];
	[sflag:s3] =	ssyncadd.s32 $0xFFFFEB00  }
0x2d: {  	[tilespmem:s10], [sflag:$0x1] =	stream.linear.gather [hbm4b:s28+s25], $0x1500, $0x38;
	[tilespmem:$0x10280] =	vst v63  }
0x2e: {  	_ =	swait.ge [sflag:s3], $0x1500  }
0x2f: {  	[sflag:s3] =	ssyncset.done $0x0  }
0x30: {  	s29 =	rddreg [dreg:$0x5];
	[sflag:s3] =	ssyncadd.s32 $0xFFFFEB00  }
0x31: {  	[tilespmem:s11], [sflag:$0x1] =	stream.linear.gather [hbm4b:s29+s25], $0x1500, $0x38;
	[tilespmem:$0x10280] =	vst v63  }
0x32: {  	_ =	swait.ge [sflag:s3], $0x1500  }
0x33: {  	[sflag:s3] =	ssyncset.done $0x0  }
0x34: {  	[sflag:s3] =	ssyncadd.s32 $0xFFFFEB00  }
0x35: {  	s30 =	rddreg [dreg:$0x0]  }
0x36: {  	[tilespmem:s12], [sflag:$0x1] =	stream.linear.gather [hbm4b:s30+s25], $0x1500, $0x38;
	[tilespmem:$0x10280] =	vst v63  }
0x37: {  	_ =	swait.ge [sflag:s3], $0x1500  }
0x38: {  	[sflag:s3] =	ssyncset.done $0x0  }
0x39: {  	s31 =	rddreg [dreg:$0x6];
	[sflag:s3] =	ssyncadd.s32 $0xFFFFEB00  }
0x3a: {  	[tilespmem:s13], [sflag:$0x1] =	stream.linear.gather [hbm4b:s31+s25], $0x1500, $0x38;
	[tilespmem:$0x10280] =	vst v63  }
0x3b: {  	_ =	swait.ge [sflag:s3], $0x1500  }
0x3c: {  	[sflag:s3] =	ssyncset.done $0x0  }
0x3d: {  	s0 =	simm.s32 $0x7E40;
	[sflag:s3] =	ssyncadd.s32 $0xFFFFEB00  }
0x3e: {  	[tilespmem:s0+$0x30] =	vst v2  }
0x3f: {  	[tilespmem:s0+$0xFFFFFFF0] =	vst v2  }
0x40: {  	[tilespmem:s0+$0xFFFFFFC0] =	vst v2  }
0x41: {  	[tilespmem:s0+$0xFFFFFFE0] =	vst v2  }
0x42: {  	[tilespmem:s0+$0x10] =	vst v2  }
0x43: {  	[tilespmem:s0+$0x20] =	vst v2  }
0x44: {  	[tilespmem:s0+$0x0] =	vst v2  }
0x45: {  	s1 =	simm.s32 $0x6940;
	[tilespmem:s0+$0xFFFFFFD0] =	vst v2  }
0x46: {  	[tilespmem:s1+$0xFFFFFFC0] =	vst v3  }
0x47: {  	[tilespmem:s1+$0x30] =	vst v3  }
0x48: {  	[tilespmem:s1+$0x20] =	vst v3  }
0x49: {  	[tilespmem:s1+$0x10] =	vst v3  }
0x4a: {  	[tilespmem:s1+$0xFFFFFFE0] =	vst v3  }
0x4b: {  	[tilespmem:s1+$0x0] =	vst v3  }
0x4c: {  	s2 =	simm.s32 $0x0;
	[tilespmem:s1+$0xFFFFFFF0] =	vst v3  }
.LBB2_3:
0x4d: {  	s2 =	sadd.s32 $0x8, s2;
	[tilespmem:s1+$0xFFFFFFD0] =	vst v3;
	s0 =	sadd.s32 $0x80, s0;
	s1 =	sadd.s32 $0x80, s1  }
0x4e: {  	[tilespmem:s0+$0x30] =	vst v2;
	p1 =	slt.u32 s2, $0x140  }
0x4f: {  	[tilespmem:s0+$0xFFFFFFF0] =	vst v2  }
0x50: {  	[tilespmem:s0+$0xFFFFFFC0] =	vst v2  }
0x51: {  	[tilespmem:s1+$0xFFFFFFC0] =	vst v3  }
0x52: {  	[tilespmem:s1+$0x30] =	vst v3  }
0x53: {  	[tilespmem:s0+$0xFFFFFFE0] =	vst v2  }
0x54: {  	[tilespmem:s0+$0x10] =	vst v2  }
0x55: {  	[tilespmem:s0+$0x20] =	vst v2  }
0x56: {  	[tilespmem:s1+$0x20] =	vst v3  }
0x57: {  	[tilespmem:s1+$0x10] =	vst v3  }
.Ltmp3:
0x58: {  	[tilespmem:s1+$0xFFFFFFE0] =	vst v3;
	(pc) =	sbr.rel @p1 .LBB2_3-.Ltmp3, $4  }
0x59: {  	[tilespmem:s0+$0x0] =	vst v2  }
0x5a: {  	[tilespmem:s1+$0x0] =	vst v3  }
0x5b: {  	[tilespmem:s1+$0xFFFFFFF0] =	vst v3  }
0x5c: {  	s3 =	simm.s32 $0x0;
	[tilespmem:s0+$0xFFFFFFD0] =	vst v2  }
0x5d: {  	[tilespmem:s1+$0xFFFFFFD0] =	vst v3  }
.LBB2_5:
0x5e: {  	p1 =	sne.s32 s3, $0xC0  }
.Ltmp4:
0x5f: {  	_ = 	snop;
	(pc) =	sbr.rel @p1 .LBB2_5-.Ltmp4, $4  }
0x60: {  	_ = 	snop  }
0x61: {  	s0 =	sshra.s32 s3, $0x2  }
0x62: {  	[tilespmem:s0+$0x9280] =	vst v2  }
0x63: {  	s3 =	sadd.s32 $0x40, s3;
	[tilespmem:s0+$0x7D80] =	vst v3  }
0x64: {  	s0 =	simm.s32 $0xFC40  }
0x65: {  	[tilespmem:s0+$0xFFFFFFC0] =	vst v4  }
0x66: {  	[tilespmem:s0+$0x30] =	vst v4  }
0x67: {  	[tilespmem:s0+$0x20] =	vst v4  }
0x68: {  	[tilespmem:s0+$0x10] =	vst v4  }
0x69: {  	[tilespmem:s0+$0x0] =	vst v4  }
0x6a: {  	[tilespmem:s0+$0xFFFFFFF0] =	vst v4  }
0x6b: {  	s1 =	simm.s32 $0x0;
	[tilespmem:s0+$0xFFFFFFE0] =	vst v4  }
.LBB2_7:
0x6c: {  	s1 =	sadd.s32 $0x8, s1;
	[tilespmem:s0+$0xFFFFFFD0] =	vst v4;
	s0 =	sadd.s32 $0x80, s0  }
0x6d: {  	[tilespmem:s0+$0xFFFFFFC0] =	vst v4;
	p1 =	slt.u32 s1, $0x50  }
0x6e: {  	[tilespmem:s0+$0x30] =	vst v4  }
.Ltmp5:
0x6f: {  	[tilespmem:s0+$0x20] =	vst v4;
	(pc) =	sbr.rel @p1 .LBB2_7-.Ltmp5, $4  }
0x70: {  	[tilespmem:s0+$0x10] =	vst v4  }
0x71: {  	[tilespmem:s0+$0x0] =	vst v4  }
0x72: {  	[tilespmem:s0+$0xFFFFFFF0] =	vst v4  }
0x73: {  	[tilespmem:s0+$0xFFFFFFE0] =	vst v4  }
0x74: {  	[tilespmem:s0+$0xFFFFFFD0] =	vst v4;
	s0 =	simm.s32 $0x0;
	s1 =	simm.s32 $0x0  }
.LBB2_9:
0x75: {  	p1 =	sne.s32 s1, $0x140  }
.Ltmp6:
0x76: {  	_ = 	snop;
	(pc) =	sbr.rel @p1 .LBB2_9-.Ltmp6, $3  }
0x77: {  	_ =	sdelay $0x1  }
0x78: {  	s2 =	sshra.s32 s1, $0x2  }
0x79: {  	s1 =	sadd.s32 $0x40, s1;
	[tilespmem:s2+$0x10180] =	vst v4  }
0x7a: {  	s1 =	simm.s32 $0x20  }
0x7b: {  	v9 =	vld [tilespmem:s1+$0x10]  }
0x7c: {  	v8 =	vld [tilespmem:s1+$0xFFFFFFF0]  }
0x7d: {  	v24 =	vld [tilespmem:s1+$0xFFFFFFE0];
	_ =	sdelay $0x2  }
0x7e: {  	vm4 =	vgt.f32 v9, $8.500000230e-01  }
0x7f: {  	v11 =	vld [tilespmem:s1+$0x0];
	vm6 =	vgt.f32 v8, $8.500000230e-01;
	v6 =	vsel vm4, $0x3F800000, v4  }
0x80: {  	vm5 =	vgt.f32 v24, $8.500000230e-01;
	(xrf2) =	vadd.scan.msk.f32 $0xffff, v6;
	v6 =	vsel vm6, $0x3F800000, v4  }
0x81: {  	(xrf2) =	vadd.scan.msk.f32 $0xffff, v6;
	v6 =	vsel vm5, $0x3F800000, v4  }
0x82: {  	(xrf2) =	vadd.scan.msk.f32 $0xffff, v6;
	_ =	sdelay $0x1  }
0x83: {  	vm7 =	vgt.f32 v11, $8.500000230e-01  }
0x84: {  	v6 =	vsel vm7, $0x3F800000, v4  }
0x85: {  	(xrf2) =	vadd.scan.msk.f32 $0xffff, v6;
	_ =	sdelay $0x3  }
0x86: {  	s9 =	simm.s32 $0x60;
	v26, _, _ =	vpop (xrf2)  }
0x87: {  	v7 =	vld [tilespmem:s9+$0x10];
	v27, _, _ =	vpop (xrf2)  }
0x88: {  	v12, _, _ =	vpop (xrf2)  }
0x89: {  	v6 =	vld [tilespmem:s9+$0xFFFFFFF0];
	(xrf0) =	vmax.scan.msk.f32 $0xffff, v12  }
0x8a: {  	v14 =	vld [tilespmem:s9+$0xFFFFFFE0]  }
0x8b: {  	(xrf0) =	vmax.scan.msk.f32 $0xffff, v27  }
0x8c: {  	vm8 =	vgt.f32 v7, $8.500000230e-01;
	v28, _, _ =	vpop (xrf2)  }
0x8d: {  	v13 =	vsel vm8, $0x3F800000, v4;
	(xrf0) =	vmax.scan.msk.f32 $0xffff, v28  }
0x8e: {  	vm0 =	vgt.f32 v6, $8.500000230e-01;
	(xrf2) =	vadd.scan.msk.f32 $0xffff, v13  }
0x8f: {  	vm10 =	vgt.f32 v14, $8.500000230e-01;
	v13 =	vsel vm0, $0x3F800000, v4;
	v10, _, _ =	vpop (xrf0);
	(xrf0) =	vmax.scan.msk.f32 $0xffff, v26  }
0x90: {  	(xrf2) =	vadd.scan.msk.f32 $0xffff, v13;
	v13 =	vsel vm10, $0x3F800000, v4;
	(v2sf) =	vpush v10, $0xF;
	v10 =	vld [tilespmem:s9+$0x0]  }
0x91: {  	(xrf2) =	vadd.scan.msk.f32 $0xffff, v13;
	v15, _, _ =	vpop (xrf0)  }
0x92: {  	(v2sf) =	vpush v15, $0xF  }
0x93: {  	v15, _, _ =	vpop (xrf0)  }
0x94: {  	(v2sf) =	vpush v15, $0xF  }
0x95: {  	v13, _, _ =	vpop (xrf0);
	vm11 =	vgt.f32 v10, $8.500000230e-01  }
0x96: {  	(v2sf) =	vpush v13, $0xF;
	v13 =	vsel vm11, $0x3F800000, v4  }
0x97: {  	(xrf2) =	vadd.scan.msk.f32 $0xffff, v13;
	_ =	sdelay $0x1  }
0x98: {  	s2 =	simm.f32 $0.0e+00;
	v18 =	vimm.s32 $0x0;
	v31 =	vor.u32 s0, v5;
	s24 =	simm.s32 $0x20;
	v17, _, _ =	vpop (xrf2)  }
0x99: {  	s16 =	sadd.f32 $-1.000000000e+00, s2;
	v21 =	vor.u32 s24, v5;
	vm4 =	vmmov vm4;
	vm6 =	vmmov vm6;
	v16, _, _ =	vpop (xrf2)  }
0x9a: {  	s1 =	simm.s32 $0xA0;
	vm13 =	vmmov vm7;
	vm9 =	vmmov vm6;
	v15 =	vimm.f32 $-3.000000010e+38;
	v30, _, _ =	vpop (xrf2)  }
0x9b: {  	vm6 =	vmmov vm0;
	v12 =	vadd.f32 s16, v12;
	vm0 =	vgt.f32 v24, v15;
	(xrf0) =	vmax.scan.msk.f32 $0xffff, v30;
	v13 =	vld [tilespmem:s1+$0x10]  }
0x9c: {  	vm14 =	vmmov vm4;
	vm5 =	vmmov vm5;
	v15 =	vsel vm0, v24, v15  }
0x9d: {  	s22 =	simm.s32 $0x10;
	v12 =	vtrunc.f32 v12;
	v20 =	vsel vm0, v31, v18;
	vm0 =	vgt.f32 v8, v15  }
0x9e: {  	v29 =	vcvt.f32.s32 v12;
	v12 =	vld [tilespmem:s1+$0xFFFFFFF0];
	v18 =	vor.u32 s22, v5;
	v22 =	vsel vm0, v8, v15;
	s3 =	spop (v2sf)  }
0x9f: {  	vm12 =	vmmov vm5;
	(xrf0) =	vmax.scan.msk.f32 $0xffff, v16;
	v20 =	vsel vm0, v18, v20;
	vm0 =	vgt.f32 v11, v22;
	s2 =	sadd.f32 s3, s2  }
0xa0: {  	s28 =	simm.s32 $0x30;
	v15 =	vld [tilespmem:s1+$0xFFFFFFE0];
	v23 =	vsel vm0, v11, v22;
	v20 =	vsel vm0, v21, v20;
	vm5 =	vgt.f32 v13, $8.500000230e-01;
	s4 =	spop (v2sf);
	v19, _, _ =	vpop (xrf2)  }
0xa1: {  	v22 =	vor.u32 s28, v5;
	vm0 =	vgt.f32 v9, v23;
	v25, _, _ =	vpop (xrf0);
	v32 =	vsel vm5, $0x3F800000, v4;
	s23 =	sadd.f32 s4, s2;
	(xrf0) =	vmax.scan.msk.f32 $0xffff, v19  }
0xa2: {  	(xrf2) =	vadd.scan.msk.f32 $0xffff, v32;
	(v2sf) =	vpush v25, $0xF;
	v25 =	vsel vm0, v9, v23;
	v23 =	vsel vm0, v22, v20;
	v20 =	vld [tilespmem:s1+$0x0];
	s5 =	spop (v2sf);
	s2 =	sadd.f32 $-1.000000000e+00, s2  }
0xa3: {  	vm7 =	vmmov vm10;
	vm10 =	vmmov vm13;
	vm13 =	vgt.f32 v12, $8.500000230e-01;
	(xrf0) =	vmax.scan.msk.f32 $0xffff, v17;
	s25 =	sadd.f32 s5, s23  }
0xa4: {  	vm4 =	vmmov vm8;
	v33 =	vsel vm13, $0x3F800000, v4;
	vm8 =	vmmov vm11;
	s6 =	sadd.f32 $-1.000000000e+00, s23;
	s29 =	spop (v2sf)  }
0xa5: {  	vm11 =	vmmov vm14;
	vm14 =	vmmov vm4;
	vm15 =	vgt.f32 v15, $8.500000230e-01;
	v34, _, _ =	vpop (xrf0);
	(xrf2) =	vadd.scan.msk.f32 $0xffff, v33;
	s3 =	sadd.f32 s29, s25  }
0xa6: {  	[tilespmem:v29+s14+$0x0] =	vst.idx.msk vm12, v31;
	v31 =	vsel vm15, $0x3F800000, v4;
	(v2sf) =	vpush v34, $0xF;
	v28 =	vadd.f32 s6, v28;
	s30 =	sadd.f32 $-1.000000000e+00, s25  }
0xa7: {  	[tilespmem:v29+s15+$0x0] =	vst.idx.msk vm12, v24;
	vm12 =	vmmov vm5;
	v27 =	vadd.f32 s2, v27;
	vm4 =	vgt.f32 v20, $8.500000230e-01;
	s31 =	sadd.f32 $-1.000000000e+00, s3;
	v62, _, _ =	vpop (xrf0)  }
0xa8: {  	(xrf2) =	vadd.scan.msk.f32 $0xffff, v31;
	v63 =	vadd.f32 s30, v26;
	v24 =	vtrunc.f32 v28;
	(v2sf) =	vpush v62, $0xF  }
0xa9: {  	v27 =	vtrunc.f32 v27;
	v29, _, _ =	vpop (xrf0);
	v26 =	vcvt.f32.s32 v24;
	v28 =	vadd.f32 s31, v30  }
0xaa: {  	v24 =	vcvt.f32.s32 v27;
	v30 =	vtrunc.f32 v63;
	(v2sf) =	vpush v29, $0xF  }
0xab: {  	s4 =	simm.s32 $0x8;
	v27 =	vcvt.f32.s32 v30;
	v29 =	vtrunc.f32 v28;
	v28 =	vsel vm4, $0x3F800000, v4  }
.LBB2_11:
0xac: {  	s4 =	sadd.s32 $0x4, s4;
	(xrf2) =	vadd.scan.msk.f32 $0xffff, v28;
	v28, _, _ =	vpop (xrf2);
	v29 =	vcvt.f32.s32 v29;
	vm0 =	vmmov vm9;
	vm9 =	vmmov vm6  }
0xad: {  	vm6 =	vmmov vm13;
	vm5 =	vmmov vm7;
	vm7 =	vmmov vm15;
	p1 =	slt.u32 s4, $0x148;
	_ =	sdelay $0x1  }
0xae: {  	v30, _, _ =	vpop (xrf2);
	[tilespmem:v26+s14+$0x0] =	vst.idx.msk vm10, v21  }
0xaf: {  	s1 =	sadd.s32 $0x40, s1;
	[tilespmem:v26+s15+$0x0] =	vst.idx.msk vm10, v11;
	v11 =	vmovc v10;
	v10 =	vmov v20;
	vm10 =	vmmov vm8;
	vm8 =	vmmov vm4  }
0xb0: {  	v20 =	vld [tilespmem:s1+$0x10];
	[tilespmem:v27+s14+$0x0] =	vst.idx.msk vm11, v22  }
0xb1: {  	s0 =	sadd.s32 $0x40, s0;
	v26, _, _ =	vpop (xrf2);
	[tilespmem:v27+s15+$0x0] =	vst.idx.msk vm11, v9;
	v9 =	vmov v7;
	v7 =	vmov v13;
	vm11 =	vmmov vm14  }
0xb2: {  	vm4 =	vgt.f32 v14, v25;
	v13 =	vor.u32 s0, v5;
	v22 =	vld [tilespmem:s1+$0xFFFFFFF0];
	(xrf0) =	vmax.scan.msk.f32 $0xffff, v26;
	s2 =	spop (v2sf);
	[tilespmem:v24+s14+$0x0] =	vst.idx.msk vm0, v18  }
0xb3: {  	v21 =	vsel vm4, v14, v25;
	v23 =	vsel vm4, v13, v23;
	s2 =	sadd.f32 s2, s3;
	s3 =	sadd.s32 $0x10, s0;
	[tilespmem:v24+s15+$0x0] =	vst.idx.msk vm0, v8;
	v8 =	vmov v6  }
0xb4: {  	v6 =	vmovc v12;
	(xrf0) =	vmax.scan.msk.f32 $0xffff, v30;
	[tilespmem:v29+s14+$0x0] =	vst.idx.msk vm5, v13;
	v18 =	vor.u32 s3, v5;
	vm0 =	vgt.f32 v8, v21;
	s3 =	spop (v2sf)  }
0xb5: {  	s5 =	sadd.s32 $0x20, s0;
	vm4 =	vgt.f32 v20, $8.500000230e-01;
	v24, _, _ =	vpop (xrf2);
	[tilespmem:v29+s15+$0x0] =	vst.idx.msk vm5, v14;
	v25 =	vsel vm0, v8, v21;
	v14 =	vsel vm0, v18, v23;
	s3 =	sadd.f32 s3, s2  }
0xb6: {  	s2 =	sadd.f32 $-1.000000000e+00, s2;
	v21 =	vor.u32 s5, v5;
	v13 =	vmovc v20;
	v27 =	vld [tilespmem:s1+$0xFFFFFFE0];
	v31 =	vsel vm4, $0x3F800000, v4;
	(xrf0) =	vmax.scan.msk.f32 $0xffff, v24;
	vm0 =	vgt.f32 v11, v25;
	s5 =	spop (v2sf)  }
0xb7: {  	s6 =	sadd.s32 $0x30, s0;
	vm13 =	vgt.f32 v22, $8.500000230e-01;
	(xrf2) =	vadd.scan.msk.f32 $0xffff, v31;
	v20 =	vsel vm0, v11, v25;
	v31 =	vsel vm0, v21, v14;
	s5 =	sadd.f32 s5, s3;
	v12 =	vmovc v22  }
0xb8: {  	s7 =	sadd.f32 $-1.000000000e+00, s3;
	v22 =	vor.u32 s6, v5;
	v29 =	vsel vm13, $0x3F800000, v4;
	v23, _, _ =	vpop (xrf0);
	(xrf0) =	vmax.scan.msk.f32 $0xffff, v28;
	vm0 =	vgt.f32 v9, v20;
	s3 =	spop (v2sf)  }
0xb9: {  	v14 =	vmovc v15;
	(v2sf) =	vpush v23, $0xF;
	v25 =	vsel vm0, v9, v20;
	v23 =	vsel vm0, v22, v31;
	s3 =	sadd.f32 s3, s5  }
0xba: {  	v31 =	vadd.f32 s7, v19;
	v20 =	vld [tilespmem:s1+$0x0];
	(xrf2) =	vadd.scan.msk.f32 $0xffff, v29;
	v15, _, _ =	vpop (xrf0);
	v29 =	vadd.f32 s2, v16;
	s2 =	sadd.f32 $-1.000000000e+00, s5;
	v16 =	vmov v30  }
0xbb: {  	vm14 =	vmmov vm12;
	v19 =	vmovc v24;
	vm15 =	vgt.f32 v27, $8.500000230e-01;
	s5 =	sadd.f32 $-1.000000000e+00, s3;
	(v2sf) =	vpush v15, $0xF;
	v15 =	vmovc v27  }
.Ltmp7:
0xbc: {  	v30 =	vtrunc.f32 v31;
	v24 =	vsel vm15, $0x3F800000, v4;
	v27, _, _ =	vpop (xrf0);
	v31 =	vadd.f32 s2, v17;
	(pc) =	sbr.rel @p1 .LBB2_11-.Ltmp7, $4  }
0xbd: {  	v17 =	vmovc v28;
	(xrf2) =	vadd.scan.msk.f32 $0xffff, v24;
	v24 =	vadd.f32 s5, v26;
	(v2sf) =	vpush v27, $0xF;
	v27 =	vtrunc.f32 v29  }
0xbe: {  	vm12 =	vmmov vm4;
	v26 =	vcvt.f32.s32 v30;
	v28, _, _ =	vpop (xrf0);
	v30 =	vtrunc.f32 v31  }
0xbf: {  	vm4 =	vgt.f32 v20, $8.500000230e-01;
	v29 =	vtrunc.f32 v24;
	(v2sf) =	vpush v28, $0xF  }
0xc0: {  	v24 =	vcvt.f32.s32 v27;
	v27 =	vcvt.f32.s32 v30;
	v28 =	vsel vm4, $0x3F800000, v4  }
0xc1: {  	(xrf2) =	vadd.scan.msk.f32 $0xffff, v28;
	_ =	sdelay $0x3  }
0xc2: {  	v30, _, _ =	vpop (xrf2)  }
0xc3: {  	v63, _, _ =	vpop (xrf2)  }
0xc4: {  	v31, _, _ =	vpop (xrf2)  }
0xc5: {  	(xrf0) =	vmax.scan.msk.f32 $0xffff, v31;
	_ =	sdelay $0x1  }
0xc6: {  	(xrf0) =	vmax.scan.msk.f32 $0xffff, v63  }
0xc7: {  	v32, _, _ =	vpop (xrf2)  }
0xc8: {  	(xrf0) =	vmax.scan.msk.f32 $0xffff, v32;
	_ =	sdelay $0x1  }
0xc9: {  	v33, _, _ =	vpop (xrf0);
	(xrf0) =	vmax.scan.msk.f32 $0xffff, v30  }
0xca: {  	(v2sf) =	vpush v33, $0xF  }
0xcb: {  	v44, _, _ =	vpop (xrf0)  }
0xcc: {  	(v2sf) =	vpush v44, $0xF  }
0xcd: {  	v45, _, _ =	vpop (xrf0)  }
0xce: {  	(v2sf) =	vpush v45, $0xF  }
0xcf: {  	v46, _, _ =	vpop (xrf0)  }
0xd0: {  	(v2sf) =	vpush v46, $0xF  }
0xd1: {  	s1 =	spop (v2sf)  }
0xd2: {  	s5 =	sadd.f32 s1, s3  }
0xd3: {  	s8 =	spop (v2sf)  }
0xd4: {  	s7 =	sadd.f32 s8, s5  }
0xd5: {  	vm0 =	vgt.f32 v14, v25;
	s9 =	spop (v2sf)  }
0xd6: {  	v47 =	vimm.s32 $0x0;
	v25 =	vsel vm0, v14, v25;
	s8 =	sadd.f32 s9, s7  }
0xd7: {  	s16 =	spop (v2sf);
	v33 =	vsel vm0, $0xFFFFFFFF, v47;
	vm0 =	vgt.f32 v6, v25  }
0xd8: {  	v48 =	vimm.s32 $0x0;
	s6 =	sadd.f32 s16, s8;
	v25 =	vsel vm0, v6, v25  }
0xd9: {  	[tilespmem:$0x1FFC0] =	vst v33;
	v33 =	vsel vm0, $0xFFFFFFFF, v48;
	vm0 =	vgt.f32 v10, v25;
	s22 =	spop (v2sf)  }
0xda: {  	v49 =	vimm.s32 $0x0;
	v25 =	vsel vm0, v10, v25;
	s2 =	sadd.f32 s22, s6  }
0xdb: {  	[tilespmem:$0x1FFD0] =	vst v33;
	v33 =	vsel vm0, $0xFFFFFFFF, v49;
	vm0 =	vgt.f32 v7, v25;
	s23 =	spop (v2sf)  }
0xdc: {  	v25 =	vsel vm0, v7, v25;
	s4 =	sadd.f32 s23, s2  }
0xdd: {  	vm3 =	vgt.f32 v15, v25;
	s24 =	spop (v2sf)  }
0xde: {  	v50 =	vimm.s32 $0x0;
	v25 =	vsel vm3, v15, v25;
	s3 =	sadd.f32 s24, s4  }
0xdf: {  	[tilespmem:$0x1FFE0] =	vst v33;
	v33 =	vsel vm0, $0xFFFFFFFF, v50;
	vm0 =	vgt.f32 v12, v25;
	s25 =	spop (v2sf)  }
0xe0: {  	v34 =	vld [tilespmem:$0x1FFC0];
	v25 =	vsel vm0, v12, v25;
	s1 =	sadd.f32 s25, s3  }
0xe1: {  	v35 =	vld [tilespmem:$0x1FFD0];
	vm2 =	vgt.f32 v20, v25  }
0xe2: {  	v36 =	vld [tilespmem:$0x1FFE0];
	[tilespmem:$0x1FFF0] =	vst v33;
	v25 =	vsel vm2, v20, v25;
	s1 =	scvt.f32.s32 s1  }
0xe3: {  	v37 =	vld [tilespmem:$0x1FFF0];
	vm1 =	vgt.f32 v13, v25  }
0xe4: {  	s0 =	sadd.s32 $0x40, s0;
	v25 =	vsel vm1, v13, v25;
	p1 =	sne.s32 s1, $0x0  }
0xe5: {  	v51 =	vor.u32 s0, v5;
	s9 =	sadd.s32 $0x10, s0;
	vm5 =	vnez.u8 v34;
	(xrf0) =	vmax.scan.msk.f32 @!p1 $0xffff, v25  }
0xe6: {  	s28 =	sadd.s32 $0x20, s0;
	v52 =	vor.u32 s9, v5;
	v23 =	vsel vm5, v51, v23;
	vm5 =	vnez.u8 v35  }
0xe7: {  	s29 =	sadd.s32 $0x30, s0;
	v53 =	vor.u32 s28, v5;
	v23 =	vsel vm5, v52, v23;
	vm5 =	vnez.u8 v36  }
0xe8: {  	v54 =	vor.u32 s29, v5;
	s0 =	sadd.s32 $0x40, s0;
	v23 =	vsel vm5, v53, v23;
	vm5 =	vnez.u8 v37  }
0xe9: {  	v55 =	vor.u32 s0, v5;
	s30 =	sadd.s32 $0x10, s0;
	v23 =	vsel vm5, v54, v23  }
0xea: {  	s31 =	sadd.s32 $0x20, s0;
	v38 =	vor.u32 s30, v5;
	v23 =	vsel vm3, v55, v23  }
0xeb: {  	s0 =	sadd.s32 $0x30, s0;
	v39 =	vor.u32 s31, v5;
	v23 =	vsel vm0, v38, v23;
	v40, _, _ =	vpop @!p1 (xrf0)  }
0xec: {  	v41 =	vor.u32 s0, v5;
	v23 =	vsel vm2, v39, v23;
	v40 =	vbroadcast @!p1 v40, $0xF  }
0xed: {  	v23 =	vsel vm1, v41, v23  }
0xee: {  	v23 =	vxor.u32 @!p1 $0x80000000, v23;
	vm0 =	veq.f32 @!p1 v25, v40  }
0xef: {  	v23 =	vnsel @!p1 vm0, $0xFFFFFFFF, v23  }
0xf0: {  	s22 =	sadd.f32 $-1.000000000e+00, s8;
	(xrf0) =	vmin.scan.msk.u32 @!p1 $0xffff, v23;
	_ =	sdelay $0x1  }
0xf1: {  	v17 =	vadd.f32 s22, v17;
	_ =	sdelay $0x1  }
0xf2: {  	s23 =	sadd.f32 $-1.000000000e+00, s5;
	_ =	sdelay $0x1  }
0xf3: {  	[tilespmem:v27+s14+$0x0] =	vst.idx.msk vm11, v22;
	v16 =	vadd.f32 s23, v16;
	v58 =	vtrunc.f32 v17;
	v17, _, _ =	vpop @!p1 (xrf0)  }
0xf4: {  	s16 =	sadd.f32 $-1.000000000e+00, s7;
	[tilespmem:v27+s15+$0x0] =	vst.idx.msk vm11, v9;
	v9 =	vcvt.f32.s32 v58;
	(v2sf) =	vpush @!p1 v17, $0xF  }
0xf5: {  	v16 =	vtrunc.f32 v16;
	vm0 =	vmmov vm6  }
0xf6: {  	v19 =	vadd.f32 s16, v19;
	[tilespmem:v26+s14+$0x0] =	vst.idx.msk vm10, v21;
	v16 =	vcvt.f32.s32 v16;
	vm0 =	vmmov vm0  }
0xf7: {  	[tilespmem:v24+s14+$0x0] =	vst.idx.msk vm9, v18;
	s24 =	sadd.f32 $-1.000000000e+00, s6  }
0xf8: {  	v56 =	vcvt.f32.s32 v29;
	v57 =	vtrunc.f32 v19;
	[tilespmem:v26+s15+$0x0] =	vst.idx.msk vm10, v11  }
0xf9: {  	v11 =	vcvt.f32.s32 v57;
	[tilespmem:v24+s15+$0x0] =	vst.idx.msk vm9, v8;
	s2 =	sadd.f32 $-1.000000000e+00, s2;
	v59 =	vadd.f32 s24, v31  }
0xfa: {  	p2 =	sgt.s32 s1, $0x1;
	[tilespmem:v9+s14+$0x0] =	vst.idx.msk vm14, v54  }
0xfb: {  	s25 =	sadd.f32 $-1.000000000e+00, s4;
	v8 =	vtrunc.f32 v59;
	s1 =	simm.s32 @!p2 $0x1;
	[tilespmem:v9+s15+$0x0] =	vst.idx.msk vm14, v7;
	v7 =	vadd.f32 s2, v63  }
0xfc: {  	vm11 =	vmmov vm15;
	v8 =	vcvt.f32.s32 v8;
	s29 =	sadd.s32 $0xF, s1;
	[tilespmem:v16+s14+$0x0] =	vst.idx.msk vm0, v52  }
0xfd: {  	vm3 =	vmmov vm13;
	s28 =	sadd.f32 $-1.000000000e+00, s3;
	v60 =	vadd.f32 s25, v32;
	s1 =	sand.u32 $0xF, s29;
	[tilespmem:v16+s15+$0x0] =	vst.idx.msk vm0, v6;
	v6 =	vtrunc.f32 v7  }
0xfe: {  	[tilespmem:v56+s14+$0x0] =	vst.idx.msk vm7, v51;
	vm3 =	vmmov vm3;
	s30 =	sshra.s32 s29, $0x1F;
	p6 =	slt.s32 s29, $0x0;
	p3 =	sne.s32 s1, $0x0;
	v6 =	vcvt.f32.s32 v6  }
0xff: {  	vm4 =	vmmov vm4;
	[tilespmem:v11+s14+$0x0] =	vst.idx.msk vm8, v53;
	v62 =	vadd.f32 s28, v30;
	v61 =	vtrunc.f32 v60;
	s31 =	sshrl.u32 s30, $0x1C;
	p2 =	por !p6, !p3  }
0x100: {  	[tilespmem:v11+s15+$0x0] =	vst.idx.msk vm8, v10;
	vm2 =	vmmov vm4;
	v10 =	vcvt.f32.s32 v61;
	s1 =	simm.s32 $0x1;
	s0 =	sadd.s32 s31, s29;
	p2 =	por !p2, !p2  }
0x101: {  	vm12 =	vmmov vm12;
	[tilespmem:v56+s15+$0x0] =	vst.idx.msk vm7, v14;
	v63 =	vtrunc.f32 v62;
	s0 =	sshra.s32 s0, $0x4;
	s1 =	simm.s32 @!p2 $0x0  }
0x102: {  	vm4 =	vmmov vm12;
	v9 =	vcvt.f32.s32 v63;
	[tilespmem:v8+s14+$0x0] =	vst.idx.msk vm11, v55;
	s25 =	ssub.s32 s0, s1  }
0x103: {  	[tilespmem:v8+s15+$0x0] =	vst.idx.msk vm11, v15;
	s1 =	sshrl.u32 s25, $0x1E;
	s0 =	spop @!p1 (v2sf)  }
0x104: {  	s1 =	sadd.s32 s1, s25;
	[tilespmem:v6+s14+$0x0] =	vst.idx.msk vm3, v38;
	s0 =	sxor.u32 @!p1 $0x80000000, s0  }
0x105: {  	v7 =	vimm.s32 @!p1 $0x0;
	[tilespmem:v6+s15+$0x0] =	vst.idx.msk vm3, v12;
	v6 =	vmov @!p1 s0;
	s0 =	sand.u32 $0xFFFFFFFC, s1  }
0x106: {  	[tilespmem:v10+s14+$0x0] =	vst.idx.msk vm2, v39;
	p2 =	slt.s32 s0, $0x1  }
.Ltmp8:
0x107: {  	[tilespmem:v10+s15+$0x0] =	vst.idx.msk vm2, v20;
	(pc) =	sbr.rel @p2 .LBB2_13-.Ltmp8, $4  }
0x108: {  	[tilespmem:v9+s14+$0x0] =	vst.idx.msk vm4, v41  }
0x109: {  	vm5 =	vmmov vm9;
	s2 =	simm.s32 @!p1 $0x6900;
	[tilespmem:v9+s15+$0x0] =	vst.idx.msk vm4, v13  }
0x10a: {  	vm10 =	vmmov vm14;
	vm5 =	vmmov vm7;
	s1 =	simm.s32 @!p1 $0x7E00;
	[tilespmem:v7+s2+$0x0] =	vst.idx.msk @!p1 $0x1, v6  }
0x10b: {  	vm5 =	vmmov vm8;
	vm15 =	vmmov vm3;
	vm1 =	vmmov vm11;
	[tilespmem:v7+s1+$0x0] =	vst.idx.msk @!p1 $0x1, v40  }
0x10c: {  	s1 =	simm.s32 $0x0  }
0x10d: {  	v9 =	vld [tilespmem:s1+$0x6930]  }
0x10e: {  	v10 =	vld [tilespmem:s1+$0x7E00]  }
0x10f: {  	v11 =	vld [tilespmem:s1+$0x6920]  }
0x110: {  	v13 =	vld [tilespmem:s1+$0x6900]  }
0x111: {  	v15 =	vld [tilespmem:s1+$0x6910]  }
0x112: {  	v12 =	vld [tilespmem:s1+$0x7E10]  }
0x113: {  	v8 =	vimm.f32 $-3.000000010e+38;
	v7 =	vlaneseq.u32;
	vm14 =	vcmask $0x300;
	v6 =	vld [tilespmem:s1+$0x7E30]  }
0x114: {  	s3 =	simm.s32 $0x0;
	vm15 =	vcmask $0x704;
	vm11 =	vcmask $0x3F10;
	vm12 =	vcmask $0x3F0C;
	v14 =	vld [tilespmem:s1+$0x7E20]  }
0x115: {  	s2 =	simm.s32 $0x20;
	s30 =	simm.s32 $0x10;
	vm13 =	vcmask $0x3F08;
	v16 =	vor.u32 s3, v5;
	vm1 =	vgt.f32 v10, v8;
	v18 =	vld.idx.msk [tilespmem:v9+s11+$0x0], $0xffff  }
0x116: {  	v17 =	vor.u32 s2, v5;
	v21 =	vor.u32 s30, v5;
	vm0 =	vmneg vm1;
	v20 =	vld.idx.msk [tilespmem:v9+s10+$0x0], $0xffff  }
0x117: {  	vm2 =	vlt.s32 v9, $0x12C;
	vm5 =	vlt.s32 v11, $0x12C;
	vm1 =	vmand vm0, vm1;
	v22 =	vld.idx.msk [tilespmem:v9+s13+$0x0], $0xffff  }
0x118: {  	vm6 =	vlt.s32 v13, $0x12C;
	v19 =	vsel vm0, v8, v10;
	v10 =	vsel vm1, v10, v8;
	v9 =	vld.idx.msk [tilespmem:v9+s12+$0x0], $0xffff  }
0x119: {  	v26 =	vsel vm2, v0, v1;
	vm3 =	vgt.f32 v12, v19;
	v24 =	vld.idx.msk [tilespmem:v15+s11+$0x0], $0xffff;
	v8 =	vsel vm0, v10, v8  }
0x11a: {  	v29 =	vsel vm6, v0, v1;
	v23 =	vld.idx.msk [tilespmem:v11+s10+$0x0], $0xffff;
	vm3 =	vmneg vm3;
	vm4 =	vgt.f32 v12, v8  }
0x11b: {  	v30 =	vsel vm5, v0, v1;
	v27 =	vld.idx.msk [tilespmem:v13+s11+$0x0], $0xffff;
	v25 =	vsel vm3, v19, v12;
	vm7 =	vmand vm3, vm4  }
0x11c: {  	v31 =	vld.idx.msk [tilespmem:v11+s13+$0x0], $0xffff;
	v10 =	vsel vm0, v7, v16;
	vm4 =	vgt.f32 v14, v25;
	v8 =	vsel vm7, v12, v8  }
0x11d: {  	v32 =	vld.idx.msk [tilespmem:v11+s11+$0x0], $0xffff;
	v12 =	vsel vm1, v16, v7;
	vm1 =	vmneg vm4;
	vm4 =	vlt.s32 v15, $0x12C  }
0x11e: {  	v33 =	vld.idx.msk [tilespmem:v11+s12+$0x0], $0xffff;
	v19 =	vsel vm3, v8, v19;
	v28 =	vmul.f32 v26, v20;
	v7 =	vsel vm0, v12, v7  }
0x11f: {  	s31 =	simm.s32 $0x30;
	v11 =	vld.idx.msk [tilespmem:v15+s10+$0x0], $0xffff;
	v8 =	vmul.f32 v9, v26;
	v9 =	vmul.f32 v30, v23;
	v12 =	vsel vm1, v25, v14  }
0x120: {  	v16 =	vld.idx.msk [tilespmem:v13+s12+$0x0], $0xffff;
	v23 =	vmul.f32 v26, v18;
	v18 =	vor.u32 s31, v5;
	vm2 =	vgt.f32 v14, v19  }
0x121: {  	v20 =	vld.idx.msk [tilespmem:v13+s13+$0x0], $0xffff;
	v27 =	vmul.f32 v29, v27;
	v7 =	vsel vm7, v21, v7;
	vm0 =	vmand vm1, vm2  }
0x122: {  	v7 =	vsel vm3, v7, v10;
	v10 =	vsel vm3, v10, v21;
	v21 =	vmul.f32 v22, v26;
	[tilespmem:s1+$0x9330] =	vst v28  }
0x123: {  	v26 =	vsub.f32 v8, v28;
	v28 =	vmul.f32 v31, v30;
	[tilespmem:s1+$0xA830] =	vst v23;
	v7 =	vsel vm0, v17, v7  }
0x124: {  	p1 =	sgt.s32 s0, $0x4;
	v22 =	vmul.f32 v30, v32;
	v19 =	vsel vm0, v14, v19;
	v14 =	vsel vm1, v7, v10;
	v7 =	vld.idx.msk [tilespmem:v13+s10+$0x0], $0xffff  }
.Ltmp9:
0x125: {  	vm0 =	vgt.f32 v6, v12;
	v10 =	vsel vm1, v10, v17;
	v16 =	vmul.f32 v16, v29;
	[tilespmem:s1+$0xD230] =	vst v21;
	(pc) =	sbr.rel @!p1 .LBB2_28-.Ltmp9, $4  }
0x126: {  	v17 =	vsel vm1, v19, v25;
	v19 =	vsel vm4, v0, v1;
	v13 =	vld.idx.msk [tilespmem:v15+s13+$0x0], $0xffff;
	[tilespmem:s1+$0xD220] =	vst v28;
	vm4 =	vmneg vm0  }
0x127: {  	[tilespmem:s1+$0xA800] =	vst v27;
	v20 =	vmul.f32 v20, v29;
	vm1 =	vgt.f32 v6, v17;
	v25 =	vmul.f32 v19, v24  }
0x128: {  	v11 =	vmul.f32 v19, v11;
	v24 =	vld.idx.msk [tilespmem:v15+s12+$0x0], $0xffff;
	v15 =	vsub.f32 v28, v22;
	v28 =	vmul.f32 v33, v30  }
0x129: {  	s4 =	simm.s32 $0x4;
	s5 =	simm.s32 $0x100;
	vm6 =	vmand vm4, vm1;
	[tilespmem:s1+$0xD200] =	vst v20;
	v29 =	vmul.f32 v29, v7;
	v7 =	vsel vm4, v12, v6  }
.LBB2_27:
0x12a: {  	s2 =	sshra.s32 s5, $0x2;
	s4 =	sadd.s32 $0x4, s4;
	[tilespmem:s1+$0xA810] =	vst v25;
	v26 =	vmax.f32 v26, $0.0e+00;
	v6 =	vsel vm6, v6, v17;
	v14 =	vsel vm6, v18, v14;
	s3 =	sadd.s32 $0x40, s3  }
0x12b: {  	v21 =	vsub.f32 v21, v23;
	v17 =	vld [tilespmem:s2+$0x6930];
	p1 =	slt.s32 s4, s0;
	[tilespmem:s1+$0x9300] =	vst v29;
	v12 =	vsel vm4, v6, v12;
	v14 =	vsel vm4, v14, v10  }
0x12c: {  	v20 =	vsub.f32 v20, v27;
	v13 =	vmul.f32 v13, v19;
	v6 =	vsub.f32 v16, v29;
	v23 =	vld [tilespmem:s2+$0x6920];
	[tilespmem:s1+$0xBD20] =	vst v28  }
0x12d: {  	v10 =	vsel vm4, v10, v18;
	v21 =	vmax.f32 v21, $0.0e+00;
	v27 =	vld [tilespmem:s2+$0x7E00];
	[tilespmem:s1+$0xBD00] =	vst v16;
	v16 =	vsub.f32 v28, v9  }
0x12e: {  	v20 =	vmax.f32 v20, $0.0e+00;
	v25 =	vsub.f32 v13, v25;
	v28 =	vmax.f32 v6, $0.0e+00;
	v18 =	vld [tilespmem:s2+$0x6900];
	[tilespmem:s1+$0xD210] =	vst v13  }
0x12f: {  	s6 =	sadd.s32 $0x20, s3;
	v21 =	vmul.f32 v21, v26;
	v13 =	vor.u32 s3, v5;
	v29 =	vld [tilespmem:s2+$0x6910];
	[tilespmem:s1+$0xA820] =	vst v22  }
0x130: {  	s7 =	sadd.s32 $0x10, s3;
	v26 =	vor.u32 s6, v5;
	v16 =	vmax.f32 v16, $0.0e+00;
	v22 =	vld [tilespmem:s2+$0x7E10];
	vm4 =	vlt.s32 v17, $0x12C;
	[tilespmem:s1+$0x9320] =	vst v9  }
0x131: {  	v30 =	vor.u32 s7, v5;
	v9 =	vmul.f32 v24, v19;
	v19 =	vmax.f32 v25, $0.0e+00;
	v6 =	vld [tilespmem:s2+$0x7E30];
	[tilespmem:s1+$0xBD30] =	vst v8  }
0x132: {  	vm6 =	vlt.s32 v23, $0x12C;
	vm0 =	vgt.f32 v27, v7;
	vm1 =	vgt.f32 v27, v12;
	v24 =	vld [tilespmem:s2+$0x7E20];
	[tilespmem:s1+$0xE730] =	vst v21  }
0x133: {  	v8 =	vsub.f32 v9, v11;
	vm5 =	vlt.s32 v18, $0x12C;
	vm8 =	vmneg vm0;
	v25 =	vld.idx.msk [tilespmem:v17+s11+$0x0], $0xffff;
	[tilespmem:s1+$0xBD10] =	vst v9  }
0x134: {  	v15 =	vmax.f32 v15, $0.0e+00;
	vm0 =	vmand vm8, vm1;
	v9 =	vsel vm8, v7, v27;
	v21 =	vld.idx.msk [tilespmem:v17+s10+$0x0], $0xffff  }
0x135: {  	v12 =	vsel vm0, v27, v12;
	v27 =	vsel vm8, v10, v13;
	vm1 =	vgt.f32 v22, v9;
	v31 =	vld.idx.msk [tilespmem:v17+s13+$0x0], $0xffff  }
0x136: {  	v8 =	vmax.f32 v8, $0.0e+00;
	v7 =	vsel vm8, v12, v7;
	vm9 =	vmneg vm1;
	v12 =	vld.idx.msk [tilespmem:v17+s12+$0x0], $0xffff  }
0x137: {  	v8 =	vmul.f32 v19, v8;
	v32 =	vld.idx.msk [tilespmem:v29+s11+$0x0], $0xffff;
	vm1 =	vgt.f32 v22, v7;
	v17 =	vsel vm9, v9, v22  }
0x138: {  	vm1 =	vmand vm9, vm1;
	v19 =	vld.idx.msk [tilespmem:v23+s10+$0x0], $0xffff;
	vm2 =	vgt.f32 v24, v17;
	[tilespmem:s1+$0x9310] =	vst v11;
	v11 =	vmul.f32 v15, v16  }
0x139: {  	v14 =	vsel vm0, v13, v14;
	v13 =	vld.idx.msk [tilespmem:v29+s13+$0x0], $0xffff;
	v7 =	vsel vm1, v22, v7;
	vm10 =	vmneg vm2;
	[tilespmem:s1+$0xE710] =	vst v8  }
0x13a: {  	vm7 =	vlt.s32 v29, $0x12C;
	v22 =	vsel vm4, v0, v1;
	v15 =	vld.idx.msk [tilespmem:v18+s12+$0x0], $0xffff;
	v7 =	vsel vm9, v7, v9;
	[tilespmem:s1+$0xE720] =	vst v11  }
0x13b: {  	v33 =	vmul.f32 v22, v21;
	v9 =	vmul.f32 v20, v28;
	v11 =	vld.idx.msk [tilespmem:v18+s11+$0x0], $0xffff;
	vm0 =	vgt.f32 v24, v7  }
0x13c: {  	v34 =	vsel vm6, v0, v1;
	v8 =	vsel vm8, v14, v10;
	v28 =	vsel vm5, v0, v1;
	v20 =	vld.idx.msk [tilespmem:v18+s13+$0x0], $0xffff  }
0x13d: {  	v10 =	vsel vm1, v30, v8;
	v8 =	vmul.f32 v12, v22;
	vm0 =	vmand vm10, vm0;
	v35 =	vld.idx.msk [tilespmem:v23+s13+$0x0], $0xffff;
	[tilespmem:s1+$0xE700] =	vst v9;
	s1 =	smov.u32 s2  }
0x13e: {  	v10 =	vsel vm9, v10, v27;
	v9 =	vmul.f32 v34, v19;
	v7 =	vsel vm0, v24, v7;
	v36 =	vld.idx.msk [tilespmem:v23+s11+$0x0], $0xffff  }
0x13f: {  	v16 =	vsel vm9, v27, v30;
	v12 =	vsel vm10, v17, v24;
	v10 =	vsel vm0, v26, v10;
	v30 =	vld.idx.msk [tilespmem:v23+s12+$0x0], $0xffff  }
0x140: {  	v21 =	vmul.f32 v31, v22;
	v14 =	vsel vm10, v10, v16;
	v10 =	vsel vm10, v16, v26;
	v24 =	vld.idx.msk [tilespmem:v29+s10+$0x0], $0xffff  }
0x141: {  	v17 =	vsel vm10, v7, v17;
	v16 =	vmul.f32 v15, v28;
	v23 =	vmul.f32 v22, v25;
	v31 =	vld.idx.msk [tilespmem:v18+s10+$0x0], $0xffff  }
0x142: {  	vm0 =	vgt.f32 v6, v12;
	v26 =	vsub.f32 v8, v33;
	v20 =	vmul.f32 v20, v28;
	[tilespmem:s1+$0x9330] =	vst v33  }
.Ltmp10:
0x143: {  	s2 =	sadd.s32 $0x30, s3;
	vm1 =	vgt.f32 v6, v17;
	v7 =	vmul.f32 v35, v34;
	[tilespmem:s1+$0xA830] =	vst v23;
	(pc) =	sbr.rel @p1 .LBB2_27-.Ltmp10, $4  }
0x144: {  	v19 =	vsel vm7, v0, v1;
	v18 =	vor.u32 s2, v5;
	v22 =	vmul.f32 v34, v36;
	[tilespmem:s1+$0xD230] =	vst v21  }
0x145: {  	vm4 =	vmneg vm0;
	v25 =	vmul.f32 v19, v32;
	v27 =	vmul.f32 v28, v11;
	[tilespmem:s1+$0xD220] =	vst v7  }
0x146: {  	vm6 =	vmand vm4, vm1;
	v11 =	vmul.f32 v19, v24;
	v15 =	vsub.f32 v7, v22;
	[tilespmem:s1+$0xD200] =	vst v20;
	v24 =	vld.idx.msk [tilespmem:v29+s12+$0x0], $0xffff  }
0x147: {  	s5 =	sadd.s32 $0x100, s5;
	v7 =	vsel vm4, v12, v6;
	v29 =	vmul.f32 v28, v31;
	v28 =	vmul.f32 v30, v34;
	[tilespmem:s1+$0xA800] =	vst v27  }
.LBB2_28:
0x148: {  	[tilespmem:s1+$0xA810] =	vst v25  }
0x149: {  	[tilespmem:s1+$0xBD00] =	vst v16  }
0x14a: {  	[tilespmem:s1+$0xA820] =	vst v22  }
0x14b: {  	[tilespmem:s1+$0x9320] =	vst v9  }
0x14c: {  	v21 =	vsub.f32 v21, v23;
	[tilespmem:s1+$0xBD30] =	vst v8  }
0x14d: {  	v60 =	vmax.f32 v26, $0.0e+00;
	v8 =	vsub.f32 v20, v27;
	[tilespmem:s1+$0x9310] =	vst v11;
	v13 =	vmul.f32 v13, v19  }
0x14e: {  	[tilespmem:s1+$0x9300] =	vst v29;
	v9 =	vsub.f32 v28, v9;
	v21 =	vmax.f32 v21, $0.0e+00;
	v59 =	vmul.f32 v24, v19  }
0x14f: {  	v15 =	vmax.f32 v15, $0.0e+00;
	[tilespmem:s1+$0xBD20] =	vst v28;
	v62 =	vsub.f32 v16, v29;
	v21 =	vmul.f32 v21, v60  }
0x150: {  	[tilespmem:s1+$0xD210] =	vst v13;
	v13 =	vsub.f32 v13, v25;
	v9 =	vmax.f32 v9, $0.0e+00;
	v61 =	vsub.f32 v59, v11  }
.Ltmp11:
0x151: {  	v8 =	vmax.f32 v8, $0.0e+00;
	v16 =	vmax.f32 v62, $0.0e+00;
	v9 =	vmul.f32 v15, v9;
	[tilespmem:s1+$0xE730] =	vst v21;
	(pc) =	sbr.rel .LBB2_14-.Ltmp11, $4  }
0x152: {  	v13 =	vmax.f32 v13, $0.0e+00;
	[tilespmem:s1+$0xBD10] =	vst v59;
	v11 =	vmul.f32 v8, v16;
	v63 =	vmax.f32 v61, $0.0e+00  }
0x153: {  	[tilespmem:s1+$0xE720] =	vst v9;
	v13 =	vmul.f32 v13, v63  }
0x154: {  	v6 =	vsel vm6, v6, v17;
	v8 =	vsel vm6, v18, v14;
	[tilespmem:s1+$0xE700] =	vst v11  }
0x155: {  	v9 =	vsel vm4, v6, v12;
	v8 =	vsel vm4, v8, v10;
	v6 =	vsel vm4, v10, v18;
	[tilespmem:s1+$0xE710] =	vst v13  }
.LBB2_13:
0x156: {  	v6 =	vlaneseq.u32;
	v7 =	vimm.f32 $-3.000000010e+38;
	v9 =	vimm.f32 $-3.000000010e+38  }
0x157: {  	v8 =	vlaneseq.u32;
	vm11 =	vcmask $0x3F10;
	vm12 =	vcmask $0x3F0C  }
0x158: {  	vm13 =	vcmask $0x3F08;
	vm14 =	vcmask $0x300;
	vm15 =	vcmask $0x704  }
.LBB2_14:
0x159: {  	s1 =	ssub.s32 s25, s0  }
0x15a: {  	p1 =	slt.s32 s1, $0x1  }
.Ltmp12:
0x15b: {  	_ = 	snop;
	(pc) =	sbr.rel @p1 .LBB2_17-.Ltmp12, $1  }
0x15c: {  	_ =	sdelay $0x3  }
0x15d: {  	s6 =	sshll.u32 s0, $0x6  }
0x15e: {  	s9 =	sshra.s32 s6, $0x2  }
0x15f: {  	v10 =	vmov s9;
	_ =	sdelay $0x1  }
0x160: {  	s1 =	sshll.u32 s0, $0x4;
	s2 =	simm.s32 $0x6900  }
0x161: {  	s3 =	simm.s32 $0x9300;
	s4 =	simm.s32 $0xA800;
	s5 =	simm.s32 $0xBD00  }
0x162: {  	s7 =	simm.s32 $0xE700;
	s8 =	simm.s32 $0x7E00;
	s6 =	simm.s32 $0xD200  }
.LBB2_16:
0x163: {  	v11 =	vld.idx.msk [tilespmem:v10+s2+$0x0 ss:$0x1], $0xffff;
	_ =	sdelay $0x7  }
0x164: {  	v12 =	vld.idx.msk [tilespmem:v11+s10+$0x0], $0xffff  }
0x165: {  	v13 =	vld.idx.msk [tilespmem:v11+s11+$0x0], $0xffff  }
0x166: {  	v14 =	vld.idx.msk [tilespmem:v11+s12+$0x0], $0xffff  }
0x167: {  	v15 =	vld.idx.msk [tilespmem:v11+s13+$0x0], $0xffff;
	_ =	sdelay $0x1  }
0x168: {  	vm0 =	vlt.s32 v11, $0x12C  }
0x169: {  	v11 =	vsel vm0, v0, v1  }
0x16a: {  	v12 =	vmul.f32 v11, v12;
	v13 =	vmul.f32 v11, v13  }
0x16b: {  	v14 =	vmul.f32 v14, v11;
	v11 =	vmul.f32 v15, v11;
	_ =	sdelay $0x1  }
0x16c: {  	v60 =	vsub.f32 v14, v12;
	v16 =	vsub.f32 v11, v13  }
0x16d: {  	[tilespmem:v10+s3+$0x0 ss:$0x1] =	vst.idx.msk $0xffff, v12  }
0x16e: {  	[tilespmem:v10+s4+$0x0 ss:$0x1] =	vst.idx.msk $0xffff, v13;
	v61 =	vmax.f32 v60, $0.0e+00;
	v62 =	vmax.f32 v16, $0.0e+00  }
0x16f: {  	[tilespmem:v10+s5+$0x0 ss:$0x1] =	vst.idx.msk $0xffff, v14;
	v12 =	vmul.f32 v62, v61  }
0x170: {  	[tilespmem:v10+s6+$0x0 ss:$0x1] =	vst.idx.msk $0xffff, v11  }
0x171: {  	[tilespmem:v10+s7+$0x0 ss:$0x1] =	vst.idx.msk $0xffff, v12  }
0x172: {  	v11 =	vld.idx.msk [tilespmem:v10+s8+$0x0 ss:$0x1], $0xffff;
	_ =	sdelay $0x3  }
0x173: {  	s0 =	sadd.s32 $0x1, s0  }
0x174: {  	p1 =	slt.s32 s0, s25;
	vm7 =	vgt.f32 v11, v7  }
.Ltmp13:
0x175: {  	vm1 =	vgt.f32 v11, v9;
	vm0 =	vmneg vm7;
	(pc) =	sbr.rel @p1 .LBB2_16-.Ltmp13, $4  }
0x176: {  	vm1 =	vmand vm0, vm1  }
0x177: {  	v63 =	vor.u32 s1, v5;
	s2 =	sadd.s32 $0x10, s2;
	s1 =	sadd.s32 $0x10, s1;
	v9 =	vsel vm1, v11, v9  }
0x178: {  	s3 =	sadd.s32 $0x10, s3;
	s4 =	sadd.s32 $0x10, s4;
	s5 =	sadd.s32 $0x10, s5;
	v8 =	vsel vm1, v63, v8;
	v9 =	vsel vm0, v9, v7  }
0x179: {  	s6 =	sadd.s32 $0x10, s6;
	s7 =	sadd.s32 $0x10, s7;
	s8 =	sadd.s32 $0x10, s8;
	v8 =	vsel vm0, v8, v6;
	v7 =	vsel vm0, v7, v11;
	v6 =	vsel vm0, v6, v63  }
.LBB2_17:
0x17a: {  	(xrf0) =	vmax.scan.msk.f32 $0xffff, v7;
	_ =	sdelay $0x5  }
0x17b: {  	v10, _, _ =	vpop (xrf0)  }
0x17c: {  	(v2sf) =	vpush v10, $0xF;
	_ =	sdelay $0xe  }
0x17d: {  	s0 =	spop (v2sf)  }
0x17e: {  	p1 =	sgt.f32 s0, $-9.999999930e+36  }
.Ltmp14:
0x17f: {  	_ = 	snop;
	(pc) =	sbr.rel @!p1 .LBB2_50-.Ltmp14, $1  }
0x180: {  	_ =	sdelay $0x3  }
0x181: {  	v10 =	vbroadcast v10, $0xF;
	_ =	sdelay $0x1  }
0x182: {  	v61 =	vxor.u32 $0x80000000, v6;
	vm0 =	veq.f32 v7, v10  }
0x183: {  	v10 =	vnsel vm0, $0xFFFFFFFF, v61  }
0x184: {  	(xrf0) =	vmin.scan.msk.u32 $0xffff, v10;
	_ =	sdelay $0x5  }
0x185: {  	v10, _, _ =	vpop (xrf0)  }
0x186: {  	(v2sf) =	vpush v10, $0xF;
	_ =	sdelay $0xe  }
0x187: {  	s1 =	spop (v2sf)  }
0x188: {  	s30 =	sxor.u32 $0x80000000, s1  }
0x189: {  	vm1 =	veq.s32 v6, s30  }
0x18a: {  	vm0 =	vmand vm0, vm1  }
0x18b: {  	v7 =	vsel vm0, v9, v7  }
0x18c: {  	(xrf0) =	vmax.scan.msk.f32 $0xffff, v7;
	_ =	sdelay $0x5  }
0x18d: {  	v62, _, _ =	vpop (xrf0)  }
0x18e: {  	v63 =	vbroadcast v62, $0xF  }
0x18f: {  	v6 =	vsel vm0, v8, v6  }
0x190: {  	v6 =	vxor.u32 $0x80000000, v6;
	vm7 =	veq.f32 v7, v63  }
0x191: {  	v6 =	vnsel vm7, $0xFFFFFFFF, v6  }
0x192: {  	(xrf0) =	vmin.scan.msk.u32 $0xffff, v6;
	_ =	sdelay $0x5  }
0x193: {  	v6, _, _ =	vpop (xrf0)  }
0x194: {  	(v2sf) =	vpush v6, $0xF  }
0x195: {  	(v2sf) =	vpush v62, $0xF;
	_ =	sdelay $0xa  }
.Ltmp15:
0x196: {  	_ = 	snop;
	(pc) =	sbr.rel .LBB2_19-.Ltmp15, $3  }
0x197: {  	_ =	sdelay $0x1  }
0x198: {  	s28 =	simm.s32 $0x0;
	s24 =	spop (v2sf)  }
0x199: {  	s31 =	sxor.u32 $0x80000000, s24;
	s29 =	spop (v2sf);
	s24 =	simm.s32 $0x0  }
.LBB2_48:
0x19a: {  	(xrf0) =	vmin.scan.msk.u32 $0xffff, v6  }
0x19b: {  	(xrf0) =	vmin.scan.msk.u32 $0xffff, v7;
	_ =	sdelay $0x4  }
0x19c: {  	v6, _, _ =	vpop (xrf0)  }
0x19d: {  	(v2sf) =	vpush v6, $0xF;
	v6, _, _ =	vpop (xrf0)  }
0x19e: {  	(v2sf) =	vpush v6, $0xF;
	_ =	sdelay $0xd  }
0x19f: {  	s2 =	spop (v2sf)  }
0x1a0: {  	s2 =	sxor.u32 $0x80000000, s2;
	s3 =	spop (v2sf)  }
0x1a1: {  	v6 =	vmov s1;
	s3 =	sxor.u32 $0x80000000, s3;
	s2 =	scvt.s32.f32 s2  }
0x1a2: {  	v6 =	vnsel vm14, $0x0, v6;
	s23 =	scvt.s32.f32 s3  }
0x1a3: {  	vm0 =	vcmask $0xB08;
	v6 =	vsel vm15, s2, v6  }
0x1a4: {  	v6 =	vsel vm0, s23, v6  }
0x1a5: {  	[tilespmem:$0x10200] =	vst v6  }
.LBB2_49:
0x1a6: {  	(v2sf) =	vpush v6, $0x0  }
0x1a7: {  	(v2sf) =	vpush v6, $0x1  }
0x1a8: {  	(v2sf) =	vpush v6, $0x2;
	_ =	sdelay $0x7  }
0x1a9: {  	s1 =	simm.s32 $0x2  }
0x1aa: {  	s1 =	simm.s32 @!p1 $0x1  }
0x1ab: {  	s24 =	sadd.s32 s24, s1  }
0x1ac: {  	p2 =	sgt.u32 s24, $0x12B  }
0x1ad: {  	p3 =	sgt.f32 @!p2 s0, $-9.999999930e+36  }
0x1ae: {  	p4 =	sgt.f32 s29, $-9.999999930e+36;
	s2 =	spop (v2sf)  }
0x1af: {  	p2 =	por p2, !p3;
	s3 =	spop (v2sf);
	s22 =	scvt.f32.s32 s2  }
.Ltmp16:
0x1b0: {  	s23 =	spop (v2sf);
	(pc) =	sbr.rel @p2 .LBB2_50-.Ltmp16, $4  }
0x1b1: {  	p1 =	sge.f32 s2, $0.0e+00;
	s2 =	scvt.f32.s32 s23  }
0x1b2: {  	s4 =	smov.u32 s31;
	s3 =	scvt.f32.s32 s3;
	s1 =	sadd.s32 $0xF, s22  }
0x1b3: {  	s28 =	sadd.s32 $0x1, s28;
	s1 =	sshra.s32 s1, $0x4;
	s4 =	smov.u32 @p1 s2  }
0x1b4: {  	s30 =	smov.u32 @p1 s3;
	s25 =	smov.u32 @p1 s1;
	s31 =	smov.u32 @p4 s4  }
.LBB2_19:
0x1b5: {  	v11 =	vld [tilespmem:s30+$0x9300]  }
0x1b6: {  	v8 =	vld [tilespmem:s30+$0xA800]  }
0x1b7: {  	v7 =	vld [tilespmem:s30+$0xBD00];
	p1 =	sgt.f32 s29, $-9.999999930e+36  }
0x1b8: {  	v6 =	vld [tilespmem:s30+$0xD200]  }
0x1b9: {  	v10 =	vld [tilespmem:s30+$0xE700];
	s31 =	simm.s32 @!p1 $0x0  }
0x1ba: {  	v12 =	vld [tilespmem:s31+$0x9300];
	(v2sf) =	vpush v11, $0x0  }
0x1bb: {  	v13 =	vld [tilespmem:s31+$0xA800];
	(v2sf) =	vpush v8, $0x0  }
0x1bc: {  	v14 =	vld [tilespmem:s31+$0xBD00];
	(v2sf) =	vpush v7, $0x0  }
0x1bd: {  	v15 =	vld [tilespmem:s31+$0xD200];
	(v2sf) =	vpush v6, $0x0  }
0x1be: {  	(v2sf) =	vpush v10, $0x0  }
0x1bf: {  	(v2sf) =	vpush v12, $0x0  }
0x1c0: {  	v16 =	vld [tilespmem:s31+$0xE700];
	(v2sf) =	vpush v13, $0x0  }
0x1c1: {  	(v2sf) =	vpush v14, $0x0  }
0x1c2: {  	(v2sf) =	vpush v15, $0x0;
	_ =	sdelay $0x2  }
0x1c3: {  	(v2sf) =	vpush v16, $0x0;
	_ =	sdelay $0x3  }
0x1c4: {  	s1 =	spop (v2sf)  }
0x1c5: {  	s2 =	spop (v2sf)  }
0x1c6: {  	s3 =	spop (v2sf)  }
0x1c7: {  	s4 =	spop (v2sf)  }
0x1c8: {  	s5 =	spop (v2sf)  }
0x1c9: {  	s6 =	spop (v2sf)  }
0x1ca: {  	s7 =	spop (v2sf);
	s1 =	smax.f32 s1, s6  }
0x1cb: {  	s8 =	spop (v2sf);
	s2 =	smax.f32 s2, s7  }
0x1cc: {  	s3 =	smin.f32 s3, s8;
	s9 =	spop (v2sf)  }
0x1cd: {  	s1 =	ssub.f32 s3, s1;
	s16 =	smin.f32 s4, s9  }
0x1ce: {  	s2 =	ssub.f32 s16, s2  }
0x1cf: {  	s22 =	spop (v2sf)  }
0x1d0: {  	s1 =	smax.f32 s1, $0.0e+00;
	s2 =	smax.f32 s2, $0.0e+00  }
0x1d1: {  	s23 =	sadd.f32 s22, s5;
	s1 =	smul.f32 s2, s1  }
0x1d2: {  	_ = 	snop  }
0x1d3: {  	s2 =	ssub.f32 s23, s1;
	_ =	sdelay $0x1  }
0x1d4: {  	s2 =	smax.f32 s2, $9.999999960e-13  }
0x1d5: {  	v9 =	vmov s2  }
0x1d6: {  	(erf) = vrcp.f32 v9;
	_ =	sdelay $0x8  }
0x1d7: {  	v9 =	vpop (erf)  }
0x1d8: {  	v9 =	vmul.f32 s1, v9;
	_ =	sdelay $0x1  }
0x1d9: {  	vm0 =	vle.f32 v9, $1.000000010e-01  }
0x1da: {  	v9 =	vsel vm0, $0x3F800000, v4  }
0x1db: {  	(xrf0) =	vmax.scan.msk.f32 $0xffff, v9;
	_ =	sdelay $0x5  }
0x1dc: {  	v9, _, _ =	vpop (xrf0)  }
0x1dd: {  	(v2sf) =	vpush v9, $0xF;
	_ =	sdelay $0xe  }
0x1de: {  	s30 =	spop (v2sf)  }
0x1df: {  	p2 =	sgt.f32 s30, $5.000000000e-01  }
0x1e0: {  	v6 =	vbroadcast v6, $0x0  }
0x1e1: {  	v7 =	vbroadcast v7, $0x0;
	p1 =	por !p2, !p1  }
0x1e2: {  	p6 =	slt.u32 s24, $0x12B;
	v8 =	vbroadcast v8, $0x0;
	v17 =	vsel vm11, s0, v6;
	p1 =	por !p1, !p1  }
0x1e3: {  	s0 =	smul.u32 $0x5, s24;
	v17 =	vsel vm12, v17, v7;
	p1 =	por !p1, !p6  }
0x1e4: {  	vm7 =	vmmov $0x1;
	v17 =	vsel vm13, v17, v8;
	p1 =	por !p1, !p1  }
0x1e5: {  	s31 =	sshra.s32 s25, $0x1F;
	v18 =	vadd.s32 s0, v5;
	v15 =	vbroadcast v15, $0x0;
	s0 =	sadd.s32 @p1 $0x5, s0;
	v19 =	vlaneseq.u32 @p1  }
0x1e6: {  	v9 =	vbroadcast v11, $0x0;
	v11 =	vsel vm7, v11, v17;
	v17 =	vadd.s32 @p1 s0, v19;
	s0 =	sshrl.u32 s31, $0x1E  }
0x1e7: {  	vm0 =	vcmask @p1 $0x3F10;
	s0 =	sadd.s32 s0, s25  }
0x1e8: {  	v19 =	vsel @p1 vm0, s29, v15;
	s29 =	sand.u32 $0xFFFFFFFC, s0  }
0x1e9: {  	v14 =	vbroadcast v14, $0x0;
	p2 =	slt.s32 s29, $0x1  }
.Ltmp17:
0x1ea: {  	v20 =	vbroadcast v12, $0x0;
	v13 =	vbroadcast v13, $0x0;
	vm0 =	vcmask @p1 $0x3F0C;
	(pc) =	sbr.rel @p2 .LBB2_20-.Ltmp17, $4  }
0x1eb: {  	v10 =	vbroadcast v10, $0x0;
	v19 =	vsel @p1 vm0, v19, v14;
	vm0 =	vcmask @p1 $0x3F08  }
0x1ec: {  	v16 =	vbroadcast v16, $0x0;
	v19 =	vsel @p1 vm0, v19, v13;
	vm0 =	vmmov @p1 $0x1  }
0x1ed: {  	[tilespmem:v18+s26+$0x0] =	vst.idx.msk $0x1f, v11;
	v11 =	vpsel !p1, $0x0, v20;
	s0 =	simm.s32 @p1 $0xFC00;
	v18 =	vsel @p1 vm0, v12, v19;
	v12 =	vpsel !p1, $0x0, v13  }
0x1ee: {  	v13 =	vpsel !p1, $0x0, v14;
	v14 =	vpsel !p1, $0x0, v15;
	v15 =	vpsel !p1, $0x0, v16;
	[tilespmem:v17+s0+$0x0] =	vst.idx.msk @p1 $0x1f, v18  }
0x1ef: {  	s1 =	simm.s32 $0xBD20  }
0x1f0: {  	s3 =	simm.s32 $0xD220;
	v19 =	vld [tilespmem:s1+$0xFFFFFFE0]  }
0x1f1: {  	s2 =	simm.s32 $0x9320;
	v20 =	vld [tilespmem:s3+$0x10]  }
0x1f2: {  	s0 =	simm.s32 $0xE720;
	v21 =	vld [tilespmem:s2+$0x10]  }
0x1f3: {  	s4 =	simm.s32 $0xA820;
	v22 =	vld [tilespmem:s0+$0x0]  }
0x1f4: {  	v23 =	vld [tilespmem:s4+$0x10]  }
0x1f5: {  	v24 =	vld [tilespmem:s2+$0x0]  }
0x1f6: {  	v25 =	vld [tilespmem:s3+$0x0]  }
0x1f7: {  	v26 =	vld [tilespmem:s1+$0x0]  }
0x1f8: {  	v27 =	vld [tilespmem:s0+$0xFFFFFFF0]  }
0x1f9: {  	v29 =	vld [tilespmem:s0+$0xFFFFFFE0]  }
0x1fa: {  	v32 =	vld [tilespmem:s4+$0x0];
	v28 =	vmin.f32 v7, v19;
	v19 =	vmin.f32 v13, v19;
	v30 =	vmin.f32 v6, v20  }
0x1fb: {  	v37 =	vld [tilespmem:s4+$0xFFFFFFF0];
	v31 =	vmax.f32 v11, v21;
	v21 =	vmax.f32 v9, v21;
	v20 =	vmin.f32 v14, v20  }
0x1fc: {  	v40 =	vld [tilespmem:s3+$0xFFFFFFE0];
	v33 =	vadd.f32 v22, v10;
	v35 =	vmax.f32 v8, v23;
	v23 =	vmax.f32 v12, v23  }
0x1fd: {  	v34 =	vld [tilespmem:s4+$0xFFFFFFE0];
	v36 =	vmax.f32 v9, v24;
	v24 =	vmax.f32 v11, v24;
	v38 =	vmin.f32 v14, v25  }
0x1fe: {  	v54 =	vld [tilespmem:s1+$0xFFFFFFF0];
	v39 =	vmin.f32 v7, v26;
	v26 =	vmin.f32 v13, v26;
	v41 =	vadd.f32 v27, v10  }
0x1ff: {  	v55 =	vld [tilespmem:s2+$0xFFFFFFF0];
	v25 =	vmin.f32 v6, v25;
	v42 =	vmax.f32 v8, v32;
	v43 =	vadd.f32 v29, v10  }
0x200: {  	v32 =	vmax.f32 v12, v32;
	v36 =	vsub.f32 v39, v36;
	v25 =	vsub.f32 v25, v42  }
0x201: {  	v44 =	vmax.f32 v8, v37;
	v56 =	vmin.f32 v6, v40;
	v29 =	vadd.f32 v29, v15  }
0x202: {  	v45 =	vmax.f32 v8, v34;
	v36 =	vmax.f32 v36, $0.0e+00;
	v25 =	vmax.f32 v25, $0.0e+00  }
0x203: {  	v46 =	vmin.f32 v13, v54;
	v27 =	vadd.f32 v27, v15;
	v36 =	vmul.f32 v25, v36;
	v25 =	vld [tilespmem:s2+$0xFFFFFFE0]  }
0x204: {  	v40 =	vmin.f32 v14, v40;
	v48 =	vmax.f32 v11, v55;
	v22 =	vadd.f32 v22, v15  }
0x205: {  	v34 =	vmax.f32 v12, v34;
	v24 =	vsub.f32 v26, v24;
	v26 =	vld [tilespmem:s3+$0xFFFFFFF0];
	v32 =	vsub.f32 v38, v32  }
0x206: {  	v59 =	vmin.f32 v7, v54;
	v37 =	vmax.f32 v12, v37;
	v42 =	vmax.f32 v9, v55  }
0x207: {  	v34 =	vsub.f32 v40, v34;
	v24 =	vmax.f32 v24, $0.0e+00;
	v32 =	vmax.f32 v32, $0.0e+00  }
0x208: {  	v57 =	vsub.f32 v46, v48;
	v32 =	vmul.f32 v32, v24;
	v58 =	vmax.f32 v11, v25  }
0x209: {  	v24 =	vsub.f32 v56, v45;
	v25 =	vmax.f32 v9, v25;
	v19 =	vsub.f32 v19, v58  }
0x20a: {  	v47 =	vmin.f32 v14, v26;
	v26 =	vmin.f32 v6, v26;
	v25 =	vsub.f32 v28, v25  }
0x20b: {  	v24 =	vmax.f32 v24, $0.0e+00;
	v28 =	vmax.f32 v34, $0.0e+00;
	v19 =	vmax.f32 v19, $0.0e+00  }
0x20c: {  	v60 =	vsub.f32 v47, v37;
	v25 =	vmax.f32 v25, $0.0e+00;
	v19 =	vmul.f32 v28, v19  }
0x20d: {  	v20 =	vsub.f32 v20, v23;
	v26 =	vsub.f32 v26, v44;
	v61 =	vmul.f32 v24, v25  }
0x20e: {  	v28 =	vmax.f32 v57, $0.0e+00;
	v24 =	vmax.f32 v60, $0.0e+00;
	v29 =	vsub.f32 v29, v19  }
0x20f: {  	v25 =	vld [tilespmem:s1+$0x10];
	v28 =	vmul.f32 v24, v28;
	v24 =	vmax.f32 v26, $0.0e+00;
	v26 =	vsub.f32 v43, v61  }
0x210: {  	v62 =	vsub.f32 v59, v42;
	v22 =	vsub.f32 v22, v32;
	v29 =	vmax.f32 v29, $9.999999960e-13  }
0x211: {  	v27 =	vsub.f32 v27, v28;
	v26 =	vmax.f32 v26, $9.999999960e-13;
	(erf) = vrcp.f32 v29  }
0x212: {  	v33 =	vsub.f32 v33, v36;
	v34 =	vmax.f32 v62, $0.0e+00;
	(erf) = vrcp.f32 v26  }
0x213: {  	v22 =	vmax.f32 v22, $9.999999960e-13;
	v29 =	vmul.f32 v24, v34;
	v24 =	vmax.f32 v27, $9.999999960e-13  }
0x214: {  	v63 =	vld [tilespmem:s0+$0x10];
	v27 =	vmax.f32 v33, $9.999999960e-13;
	v26 =	vmin.f32 v7, v25;
	v25 =	vmin.f32 v13, v25  }
0x215: {  	(erf) = vrcp.f32 v24;
	v24 =	vsub.f32 v41, v29;
	v21 =	vsub.f32 v26, v21  }
0x216: {  	v26 =	vsub.f32 v30, v35;
	v23 =	vsub.f32 v25, v31;
	(erf) = vrcp.f32 v27  }
0x217: {  	v20 =	vmax.f32 v20, $0.0e+00;
	(erf) = vrcp.f32 v22;
	v24 =	vmax.f32 v24, $9.999999960e-13  }
0x218: {  	v26 =	vmax.f32 v26, $0.0e+00;
	v21 =	vmax.f32 v21, $0.0e+00;
	(erf) = vrcp.f32 v24  }
0x219: {  	v22 =	vadd.f32 v63, v10;
	v24 =	vmul.f32 v26, v21;
	v21 =	vmax.f32 v23, $0.0e+00  }
0x21a: {  	v25 =	vmul.f32 v20, v21;
	v20 =	vadd.f32 v63, v15;
	v23 =	vpop (erf)  }
0x21b: {  	s30 =	simm.s32 $0x7E20;
	v18 =	vimm.f32 $-3.000000010e+38;
	v22 =	vsub.f32 v22, v24;
	v26 =	vpop (erf)  }
0x21c: {  	v17 =	vlaneseq.u32;
	v21 =	vld [tilespmem:s30+$0xFFFFFFE0];
	v20 =	vsub.f32 v20, v25;
	v26 =	vmul.f32 v26, v61  }
0x21d: {  	v16 =	vimm.s32 $0xFFFFFFFF;
	s23 =	simm.s32 $0x10;
	v22 =	vmax.f32 v22, $9.999999960e-13;
	v19 =	vmul.f32 v23, v19  }
0x21e: {  	v23 =	vor.u32 s23, v5;
	(erf) = vrcp.f32 v22;
	v20 =	vmax.f32 v20, $9.999999960e-13;
	v27 =	vpop (erf)  }
0x21f: {  	vm0 =	vgt.f32 v19, $1.000000010e-01;
	v19 =	vmul.f32 v27, v28;
	v27 =	vpop (erf);
	vm1 =	vgt.f32 v26, $1.000000010e-01  }
0x220: {  	(erf) = vrcp.f32 v20;
	v22 =	vmul.f32 v27, v36;
	vm0 =	vmor vm1, vm0;
	v26 =	vpop (erf)  }
0x221: {  	v20 =	vsel vm0, $0xFF61B1E6, v21;
	vm0 =	vgt.f32 v19, $1.000000010e-01;
	v19 =	vld [tilespmem:s30+$0xFFFFFFF0];
	v26 =	vmul.f32 v26, v32;
	v27 =	vpop (erf)  }
0x222: {  	vm1 =	vgt.f32 v22, $1.000000010e-01;
	vm2 =	vgt.f32 v20, v18;
	v21 =	vmul.f32 v27, v29  }
0x223: {  	vm8 =	vgt.f32 v20, $-9.999999930e+36;
	vm3 =	vmneg vm2;
	vm4 =	vgt.f32 v26, $1.000000010e-01  }
0x224: {  	s31 =	simm.s32 $0x0;
	vm2 =	vmand vm3, vm2;
	v28 =	vsel vm3, v18, v20;
	vm5 =	vgt.f32 v21, $1.000000010e-01;
	v21 =	vld [tilespmem:s30+$0x0]  }
0x225: {  	v26 =	vor.u32 s31, v5;
	v22 =	vsel vm2, v20, v18;
	vm0 =	vmor vm5, vm0  }
0x226: {  	vm1 =	vmor vm1, vm4;
	v18 =	vsel vm3, v22, v18;
	v22 =	vsel vm0, $0xFF61B1E6, v19  }
0x227: {  	p2 =	sgt.s32 s29, $0x4;
	v19 =	vsel vm2, v26, v17;
	v26 =	vsel vm3, v17, v26;
	vm0 =	vgt.f32 v22, v28  }
.Ltmp18:
0x228: {  	vm2 =	vgt.f32 v22, v18;
	v27 =	vsel vm3, v19, v17;
	vm9 =	vmneg vm0;
	(pc) =	sbr.rel @!p2 .LBB2_31-.Ltmp18, $4  }
0x229: {  	vm0 =	vmand vm9, vm2;
	v17 =	vsel vm9, v28, v22;
	v19 =	vsel vm1, $0xFF61B1E6, v21  }
0x22a: {  	s22 =	simm.s32 $0x4;
	s5 =	simm.s32 $0xA860;
	[tilespmem:s30+$0xFFFFFFE0] =	vst v20;
	v18 =	vsel vm0, v22, v18;
	v20 =	vsel vm0, v23, v27;
	vm0 =	vgt.f32 v19, v17  }
0x22b: {  	s6 =	simm.s32 $0xBD60;
	s7 =	simm.s32 $0x0;
	s4 =	simm.s32 $0x9360;
	[tilespmem:s30+$0xFFFFFFF0] =	vst v22;
	v27 =	vpop (erf);
	vm4 =	vgt.f32 v19, $-9.999999930e+36;
	v21 =	vsel vm9, v18, v28;
	vm6 =	vmneg vm0  }
0x22c: {  	s3 =	simm.s32 $0xD260;
	s1 =	simm.s32 $0x7E60;
	s23 =	simm.s32 $0x0;
	[tilespmem:s30+$0x0] =	vst v19;
	v20 =	vsel vm9, v20, v26;
	v29 =	vpop (erf);
	v28 =	vld [tilespmem:s30+$0x10];
	vm7 =	vgt.f32 v19, v21;
	v18 =	vsel vm6, v17, v19  }
.LBB2_30:
0x22d: {  	s7 =	sadd.s32 $0x40, s7  }
0x22e: {  	v30 =	vld [tilespmem:s6+$0xFFFFFFE0];
	vm10 =	vgt.f32 v22, $-9.999999930e+36;
	v24 =	vmul.f32 v27, v24;
	v25 =	vmul.f32 v29, v25;
	s0 =	sadd.s32 $0x40, s0;
	s2 =	smov.u32 s22;
	s22 =	sadd.s32 $0x4, s22  }
0x22f: {  	v22 =	vld [tilespmem:s0+$0x10];
	p2 =	slt.s32 s22, s29  }
0x230: {  	v29 =	vld [tilespmem:s3+$0x10];
	vm0 =	vgt.f32 v24, $1.000000010e-01;
	vm1 =	vgt.f32 v25, $1.000000010e-01  }
0x231: {  	v32 =	vld [tilespmem:s4+$0x10];
	vm0 =	vmor vm0, vm1  }
0x232: {  	v33 =	vld [tilespmem:s0+$0x0]  }
0x233: {  	v34 =	vmin.f32 v7, v30;
	v35 =	vld [tilespmem:s5+$0x10]  }
0x234: {  	s8 =	sadd.s32 $0x20, s31;
	s9 =	sadd.s32 $0x30, s31;
	s31 =	smov.u32 s7;
	v36 =	vmin.f32 v13, v30;
	v30 =	vld [tilespmem:s6+$0x10]  }
0x235: {  	v27 =	vsel vm9, v26, v23;
	v31 =	vor.u32 s8, v5;
	v23 =	vor.u32 s9, v5;
	v37 =	vld [tilespmem:s4+$0x0]  }
0x236: {  	v25 =	vsel vm0, $0xFF61B1E6, v28;
	v39 =	vmin.f32 v6, v29;
	v38 =	vld [tilespmem:s3+$0x0];
	v24 =	vmax.f32 v11, v32  }
0x237: {  	v16 =	vsel vm8, s23, v16;
	v41 =	vmin.f32 v14, v29;
	v32 =	vmax.f32 v9, v32;
	v40 =	vld [tilespmem:s6+$0x0];
	[tilespmem:s30+$0x10] =	vst v25;
	s30 =	smov.u32 s1  }
0x238: {  	v43 =	vadd.f32 v33, v10;
	v42 =	vld [tilespmem:s0+$0xFFFFFFF0];
	v44 =	vmax.f32 v8, v35;
	v35 =	vmax.f32 v12, v35  }
0x239: {  	v26 =	vadd.f32 v22, v10;
	v45 =	vld [tilespmem:s0+$0xFFFFFFE0];
	v29 =	vmin.f32 v7, v30;
	v28 =	vmin.f32 v13, v30  }
0x23a: {  	v30 =	vsub.f32 v41, v35;
	v46 =	vld [tilespmem:s5+$0x0];
	v47 =	vmax.f32 v9, v37;
	v29 =	vsub.f32 v29, v32  }
0x23b: {  	v39 =	vsub.f32 v39, v44;
	v32 =	vmax.f32 v11, v37;
	v35 =	vld [tilespmem:s5+$0xFFFFFFE0];
	v37 =	vmin.f32 v14, v38  }
0x23c: {  	v30 =	vmax.f32 v30, $0.0e+00;
	v41 =	vld [tilespmem:s5+$0xFFFFFFF0];
	v44 =	vmin.f32 v7, v40;
	v40 =	vmin.f32 v13, v40  }
0x23d: {  	vm8 =	vgt.f32 v25, $-9.999999930e+36;
	v48 =	vld [tilespmem:s3+$0xFFFFFFE0];
	v49 =	vadd.f32 v42, v10;
	v44 =	vsub.f32 v44, v47  }
0x23e: {  	v39 =	vmax.f32 v39, $0.0e+00;
	v32 =	vsub.f32 v40, v32;
	v47 =	vadd.f32 v45, v10;
	v50 =	vld [tilespmem:s6+$0xFFFFFFF0]  }
0x23f: {  	s8 =	sadd.s32 $0x1, s23;
	v38 =	vmin.f32 v6, v38;
	v40 =	vld [tilespmem:s3+$0xFFFFFFF0];
	v44 =	vmax.f32 v44, $0.0e+00;
	v51 =	vmax.f32 v8, v46  }
0x240: {  	v16 =	vsel vm10, s8, v16;
	v46 =	vmax.f32 v12, v46;
	v52 =	vld [tilespmem:s4+$0xFFFFFFF0];
	v38 =	vsub.f32 v38, v51  }
0x241: {  	v53 =	vmax.f32 v32, $0.0e+00;
	v37 =	vsub.f32 v37, v46;
	v51 =	vmax.f32 v8, v41  }
0x242: {  	v45 =	vadd.f32 v45, v15;
	v46 =	vmin.f32 v6, v48;
	v32 =	vmax.f32 v38, $0.0e+00  }
0x243: {  	v38 =	vmax.f32 v8, v35;
	v37 =	vmax.f32 v37, $0.0e+00;
	v32 =	vmul.f32 v32, v44  }
0x244: {  	v42 =	vadd.f32 v42, v15;
	v44 =	vmin.f32 v13, v50;
	v54 =	vmin.f32 v14, v40  }
0x245: {  	v48 =	vmin.f32 v14, v48;
	v40 =	vmin.f32 v6, v40;
	v55 =	vld [tilespmem:s4+$0xFFFFFFE0];
	v56 =	vmax.f32 v11, v52  }
0x246: {  	v33 =	vadd.f32 v33, v15;
	v35 =	vmax.f32 v12, v35;
	v52 =	vmax.f32 v9, v52  }
0x247: {  	s8 =	sadd.s32 $0x2, s23;
	v35 =	vsub.f32 v48, v35;
	v37 =	vmul.f32 v37, v53;
	v44 =	vsub.f32 v44, v56  }
0x248: {  	v16 =	vsel vm4, s8, v16;
	s8 =	sadd.s32 $0x3, s23;
	s23 =	smov.u32 s2;
	v38 =	vsub.f32 v46, v38;
	v40 =	vsub.f32 v40, v51  }
0x249: {  	v16 =	vsel vm8, s8, v16;
	v46 =	vmin.f32 v7, v50;
	v33 =	vsub.f32 v33, v37  }
0x24a: {  	v41 =	vmax.f32 v12, v41;
	v50 =	vsel vm6, v27, v31;
	v48 =	vmax.f32 v9, v55  }
0x24b: {  	vm0 =	vgt.f32 v25, v18;
	v34 =	vsub.f32 v34, v48;
	v48 =	vmax.f32 v11, v55  }
0x24c: {  	v46 =	vsub.f32 v46, v52;
	v40 =	vmax.f32 v40, $0.0e+00;
	v44 =	vmax.f32 v44, $0.0e+00  }
0x24d: {  	v38 =	vmax.f32 v38, $0.0e+00;
	v36 =	vsub.f32 v36, v48;
	v34 =	vmax.f32 v34, $0.0e+00  }
0x24e: {  	v43 =	vsub.f32 v43, v32;
	v34 =	vmul.f32 v38, v34;
	v38 =	vmax.f32 v46, $0.0e+00  }
0x24f: {  	v35 =	vmax.f32 v35, $0.0e+00;
	v41 =	vsub.f32 v54, v41;
	v36 =	vmax.f32 v36, $0.0e+00  }
0x250: {  	v35 =	vmul.f32 v35, v36;
	v36 =	vmul.f32 v40, v38;
	v46 =	vsub.f32 v47, v34  }
0x251: {  	vm1 =	vmand vm6, vm7;
	v38 =	vmax.f32 v41, $0.0e+00;
	v40 =	vmax.f32 v43, $9.999999960e-13  }
0x252: {  	v38 =	vmul.f32 v38, v44;
	v41 =	vsub.f32 v45, v35;
	v43 =	vsub.f32 v49, v36  }
0x253: {  	v19 =	vsel vm1, v19, v21;
	v20 =	vsel vm1, v31, v20;
	v33 =	vmax.f32 v33, $9.999999960e-13  }
0x254: {  	v17 =	vsel vm6, v19, v17;
	v31 =	vsub.f32 v42, v38;
	v21 =	vmax.f32 v41, $9.999999960e-13  }
0x255: {  	vm0 =	vmneg vm0;
	v19 =	vmax.f32 v46, $9.999999960e-13;
	(erf) = vrcp.f32 v21  }
0x256: {  	v21 =	vmax.f32 v31, $9.999999960e-13;
	(erf) = vrcp.f32 v19;
	v19 =	vsel vm0, v50, v23  }
0x257: {  	v20 =	vsel vm6, v20, v27;
	vm1 =	vgt.f32 v25, v17;
	(erf) = vrcp.f32 v21  }
0x258: {  	vm1 =	vmand vm0, vm1;
	v21 =	vsel vm0, v18, v25;
	(erf) = vrcp.f32 v40  }
0x259: {  	v17 =	vsel vm1, v25, v17;
	v27 =	vmax.f32 v43, $9.999999960e-13;
	(erf) = vrcp.f32 v33  }
0x25a: {  	v17 =	vsel vm0, v17, v18;
	v18 =	vsel vm1, v23, v20;
	(erf) = vrcp.f32 v27  }
0x25b: {  	v20 =	vmax.f32 v29, $0.0e+00;
	v23 =	vsub.f32 v28, v24;
	v18 =	vsel vm0, v18, v50  }
0x25c: {  	v24 =	vmul.f32 v39, v20  }
0x25d: {  	v20 =	vmax.f32 v23, $0.0e+00  }
0x25e: {  	s2 =	sadd.s32 $0x10, s7;
	v26 =	vsub.f32 v26, v24;
	v25 =	vmul.f32 v30, v20;
	v20 =	vadd.f32 v22, v15;
	v22 =	vpop (erf)  }
0x25f: {  	v23 =	vor.u32 s2, v5;
	v22 =	vmul.f32 v22, v35;
	v27 =	vld [tilespmem:s1+$0xFFFFFFE0];
	v28 =	vpop (erf)  }
0x260: {  	v26 =	vmax.f32 v26, $9.999999960e-13;
	v20 =	vsub.f32 v20, v25;
	v30 =	vmul.f32 v28, v34;
	v29 =	vpop (erf)  }
0x261: {  	vm0 =	vgt.f32 v22, $1.000000010e-01;
	v22 =	vmul.f32 v29, v38;
	v29 =	vpop (erf);
	(erf) = vrcp.f32 v26  }
0x262: {  	v20 =	vmax.f32 v20, $9.999999960e-13;
	vm1 =	vgt.f32 v30, $1.000000010e-01;
	v26 =	vmul.f32 v29, v32;
	v28 =	vpop (erf)  }
0x263: {  	vm0 =	vmor vm1, vm0;
	v28 =	vmul.f32 v28, v37;
	v29 =	vpop (erf);
	(erf) = vrcp.f32 v20  }
0x264: {  	v20 =	vsel vm0, $0xFF61B1E6, v27;
	vm0 =	vgt.f32 v22, $1.000000010e-01;
	v22 =	vld [tilespmem:s1+$0xFFFFFFF0];
	vm1 =	vgt.f32 v26, $1.000000010e-01  }
0x265: {  	v26 =	vmul.f32 v29, v36;
	[tilespmem:s1+$0xFFFFFFE0] =	vst v20;
	vm2 =	vgt.f32 v20, v21;
	vm3 =	vgt.f32 v20, v17  }
0x266: {  	vm8 =	vgt.f32 v20, $-9.999999930e+36;
	vm4 =	vgt.f32 v28, $1.000000010e-01;
	vm2 =	vmneg vm2  }
0x267: {  	vm5 =	vgt.f32 v26, $1.000000010e-01;
	vm3 =	vmand vm2, vm3;
	v28 =	vsel vm2, v21, v20;
	v29 =	vld [tilespmem:s1+$0x0]  }
0x268: {  	vm1 =	vmor vm1, vm4;
	vm0 =	vmor vm5, vm0;
	v17 =	vsel vm3, v20, v17  }
0x269: {  	v20 =	vor.u32 s7, v5;
	v21 =	vsel vm2, v17, v21;
	v22 =	vsel vm0, $0xFF61B1E6, v22  }
0x26a: {  	v17 =	vsel vm3, v20, v18;
	[tilespmem:s1+$0xFFFFFFF0] =	vst v22;
	vm0 =	vgt.f32 v22, v28;
	vm3 =	vgt.f32 v22, v21;
	v27 =	vpop (erf)  }
.Ltmp19:
0x26b: {  	v26 =	vsel vm2, v19, v20;
	v18 =	vsel vm2, v17, v19;
	vm9 =	vmneg vm0;
	(pc) =	sbr.rel @p2 .LBB2_30-.Ltmp19, $4  }
0x26c: {  	vm0 =	vmand vm9, vm3;
	v17 =	vsel vm9, v28, v22;
	v19 =	vsel vm1, $0xFF61B1E6, v29;
	v29 =	vpop (erf)  }
0x26d: {  	v20 =	vsel vm0, v22, v21;
	v18 =	vsel vm0, v23, v18;
	[tilespmem:s1+$0x0] =	vst v19;
	vm0 =	vgt.f32 v19, v17  }
0x26e: {  	s3 =	sadd.s32 $0x40, s3;
	s1 =	sadd.s32 $0x40, s1;
	v21 =	vsel vm9, v20, v28;
	v20 =	vsel vm9, v18, v26;
	vm6 =	vmneg vm0  }
0x26f: {  	s5 =	sadd.s32 $0x40, s5;
	s6 =	sadd.s32 $0x40, s6;
	s4 =	sadd.s32 $0x40, s4;
	vm4 =	vgt.f32 v19, $-9.999999930e+36;
	vm7 =	vgt.f32 v19, v21;
	v18 =	vsel vm6, v17, v19;
	v28 =	vld [tilespmem:s30+$0x10]  }
.LBB2_31:
0x270: {  	v24 =	vmul.f32 v27, v24  }
0x271: {  	v25 =	vmul.f32 v29, v25;
	vm2 =	vgt.f32 v22, $-9.999999930e+36;
	s0 =	sadd.s32 $0x20, s31;
	v22 =	vsel vm9, v26, v23  }
0x272: {  	s1 =	sadd.s32 $0x30, s31;
	v16 =	vsel vm8, s23, v16;
	vm5 =	vmand vm6, vm7;
	v23 =	vor.u32 s0, v5  }
0x273: {  	s16 =	sadd.s32 $0x1, s23;
	v62 =	vor.u32 s1, v5;
	vm0 =	vgt.f32 v24, $1.000000010e-01;
	vm1 =	vgt.f32 v25, $1.000000010e-01  }
0x274: {  	s22 =	sadd.s32 $0x2, s23;
	v16 =	vsel vm2, s16, v16;
	v19 =	vsel vm5, v19, v21;
	vm0 =	vmor vm0, vm1  }
0x275: {  	v16 =	vsel vm4, s22, v16;
	v19 =	vsel vm6, v19, v17;
	v63 =	vsel vm0, $0xFF61B1E6, v28  }
.Ltmp20:
0x276: {  	s31 =	sadd.s32 $0x3, s23;
	v17 =	vsel vm5, v23, v20;
	vm7 =	vgt.f32 v63, $-9.999999930e+36;
	vm4 =	vgt.f32 v63, v18;
	(pc) =	sbr.rel .LBB2_21-.Ltmp20, $4  }
0x277: {  	v16 =	vsel vm7, s31, v16;
	vm5 =	vmneg vm4;
	vm7 =	vgt.f32 v63, v19  }
0x278: {  	v21 =	vsel vm6, v22, v23;
	v20 =	vsel vm6, v17, v22;
	vm1 =	vmand vm5, vm7  }
0x279: {  	v17 =	vsel vm5, v21, v62;
	v22 =	vsel vm1, v63, v19;
	v23 =	vsel vm1, v62, v20  }
0x27a: {  	[tilespmem:s30+$0x10] =	vst v63;
	v19 =	vsel vm5, v18, v63;
	v20 =	vsel vm5, v22, v18;
	v18 =	vsel vm5, v23, v21  }
.LBB2_20:
0x27b: {  	v16 =	vimm.s32 $0xFFFFFFFF;
	v17 =	vlaneseq.u32  }
0x27c: {  	v19 =	vimm.f32 $-3.000000010e+38;
	v20 =	vimm.f32 $-3.000000010e+38;
	v18 =	vlaneseq.u32  }
.LBB2_21:
0x27d: {  	p2 =	sge.s32 s29, s25  }
.Ltmp21:
0x27e: {  	_ = 	snop;
	(pc) =	sbr.rel @p2 .LBB2_24-.Ltmp21, $1  }
0x27f: {  	_ =	sdelay $0x3  }
0x280: {  	s7 =	sshll.u32 s25, $0x6  }
0x281: {  	s5 =	ssub.s32 s25, s29;
	s16 =	sshra.s32 s7, $0x2  }
0x282: {  	s0 =	sshll.u32 s5, $0x6;
	v21 =	vmov s16  }
0x283: {  	s8 =	sshll.u32 s25, $0x4;
	s9 =	sshll.u32 s5, $0x4;
	s0 =	ssub.s32 $0x0, s0  }
0x284: {  	s7 =	ssub.s32 s8, s9;
	s6 =	sshra.s32 s0, $0x2;
	s0 =	ssub.s32 $0x0, s5  }
0x285: {  	s1 =	sadd.s32 $0x9300, s6;
	s2 =	sadd.s32 $0xA800, s6;
	s3 =	sadd.s32 $0xBD00, s6  }
0x286: {  	s4 =	sadd.s32 $0xD200, s6;
	s5 =	sadd.s32 $0xE700, s6;
	s6 =	sadd.s32 $0x7E00, s6  }
.LBB2_23:
0x287: {  	v22 =	vld.idx.msk [tilespmem:v21+s1+$0x0 ss:$0x1], $0xffff  }
0x288: {  	v23 =	vld.idx.msk [tilespmem:v21+s3+$0x0 ss:$0x1], $0xffff  }
0x289: {  	v24 =	vld.idx.msk [tilespmem:v21+s2+$0x0 ss:$0x1], $0xffff  }
0x28a: {  	v25 =	vld.idx.msk [tilespmem:v21+s4+$0x0 ss:$0x1], $0xffff;
	_ =	sdelay $0x3  }
0x28b: {  	v59 =	vld.idx.msk [tilespmem:v21+s5+$0x0 ss:$0x1], $0xffff;
	v26 =	vmin.f32 v7, v23  }
0x28c: {  	v27 =	vmax.f32 v9, v22;
	v28 =	vmin.f32 v6, v25;
	v29 =	vmax.f32 v8, v24  }
0x28d: {  	v23 =	vmin.f32 v13, v23;
	v22 =	vmax.f32 v11, v22;
	v25 =	vmin.f32 v14, v25  }
0x28e: {  	v24 =	vmax.f32 v12, v24;
	v26 =	vsub.f32 v26, v27;
	v28 =	vsub.f32 v28, v29  }
0x28f: {  	v22 =	vsub.f32 v23, v22;
	v23 =	vsub.f32 v25, v24  }
0x290: {  	v61 =	vadd.f32 v59, v10;
	v26 =	vmax.f32 v26, $0.0e+00;
	v28 =	vmax.f32 v28, $0.0e+00  }
0x291: {  	v22 =	vmax.f32 v22, $0.0e+00;
	v23 =	vmax.f32 v23, $0.0e+00;
	v60 =	vmul.f32 v28, v26  }
0x292: {  	v22 =	vmul.f32 v23, v22;
	v23 =	vadd.f32 v59, v15  }
0x293: {  	v25 =	vsub.f32 v61, v60  }
0x294: {  	v23 =	vsub.f32 v23, v22  }
0x295: {  	v25 =	vmax.f32 v25, $9.999999960e-13  }
0x296: {  	v23 =	vmax.f32 v23, $9.999999960e-13;
	(erf) = vrcp.f32 v25  }
0x297: {  	(erf) = vrcp.f32 v23;
	_ =	sdelay $0x7  }
0x298: {  	v23 =	vpop (erf)  }
0x299: {  	v63 =	vld.idx.msk [tilespmem:v21+s6+$0x0 ss:$0x1], $0xffff;
	v62 =	vpop (erf)  }
0x29a: {  	v23 =	vmul.f32 v23, v60;
	v22 =	vmul.f32 v62, v22;
	_ =	sdelay $0x1  }
0x29b: {  	vm0 =	vgt.f32 v23, $1.000000010e-01;
	vm1 =	vgt.f32 v22, $1.000000010e-01  }
0x29c: {  	vm0 =	vmor vm0, vm1  }
0x29d: {  	s8 =	sadd.s32 s0, s25;
	s0 =	sadd.s32 $0x1, s0;
	v22 =	vsel vm0, $0xFF61B1E6, v63  }
0x29e: {  	p2 =	seq.s32 s0, $0x0;
	vm0 =	vgt.f32 v22, v19  }
.Ltmp22:
0x29f: {  	vm6 =	vgt.f32 v22, v20;
	vm0 =	vmneg vm0;
	(pc) =	sbr.rel @!p2 .LBB2_23-.Ltmp22, $4  }
0x2a0: {  	vm1 =	vmand vm0, vm6  }
0x2a1: {  	s1 =	sadd.s32 $0x10, s1;
	v23 =	vor.u32 s7, v5;
	vm7 =	vgt.f32 v22, $-9.999999930e+36;
	v20 =	vsel vm1, v22, v20  }
0x2a2: {  	s2 =	sadd.s32 $0x10, s2;
	s3 =	sadd.s32 $0x10, s3;
	s4 =	sadd.s32 $0x10, s4;
	[tilespmem:v21+s6+$0x0 ss:$0x1] =	vst.idx.msk $0xffff, v22;
	v16 =	vsel vm7, s8, v16;
	v18 =	vsel vm1, v23, v18;
	v20 =	vsel vm0, v20, v19  }
0x2a3: {  	s5 =	sadd.s32 $0x10, s5;
	s7 =	sadd.s32 $0x10, s7;
	s6 =	sadd.s32 $0x10, s6;
	v18 =	vsel vm0, v18, v17;
	v19 =	vsel vm0, v19, v22;
	v17 =	vsel vm0, v17, v23  }
.LBB2_24:
0x2a4: {  	(xrf0) =	vmax.scan.msk.f32 $0xffff, v19;
	_ =	sdelay $0x5  }
0x2a5: {  	v6, _, _ =	vpop (xrf0)  }
0x2a6: {  	v7 =	vbroadcast v6, $0xF;
	_ =	sdelay $0x1  }
0x2a7: {  	vm0 =	veq.f32 v19, v7;
	v7 =	vxor.u32 $0x80000000, v17  }
0x2a8: {  	v7 =	vnsel vm0, $0xFFFFFFFF, v7  }
0x2a9: {  	(xrf0) =	vmin.scan.msk.u32 $0xffff, v7;
	_ =	sdelay $0x5  }
0x2aa: {  	(v2sf) =	vpush v6, $0xF;
	v6, _, _ =	vpop (xrf0)  }
0x2ab: {  	(v2sf) =	vpush v6, $0xF;
	_ =	sdelay $0xd  }
0x2ac: {  	s0 =	spop (v2sf)  }
0x2ad: {  	s1 =	spop (v2sf)  }
0x2ae: {  	s30 =	sxor.u32 $0x80000000, s1  }
0x2af: {  	vm1 =	veq.s32 v17, s30  }
0x2b0: {  	vm0 =	vmand vm0, vm1  }
0x2b1: {  	v6 =	vsel vm0, v20, v19  }
0x2b2: {  	(xrf0) =	vmax.scan.msk.f32 $0xffff, v6;
	_ =	sdelay $0x5  }
0x2b3: {  	v7, _, _ =	vpop (xrf0)  }
0x2b4: {  	v8 =	vbroadcast v7, $0xF  }
0x2b5: {  	v9 =	vsel vm0, v18, v17  }
0x2b6: {  	vm7 =	veq.f32 v6, v8;
	v6 =	vxor.u32 $0x80000000, v9  }
0x2b7: {  	v6 =	vnsel vm7, $0xFFFFFFFF, v6  }
0x2b8: {  	(xrf0) =	vmin.scan.msk.u32 $0xffff, v6;
	v6 =	vxor.u32 $0x80000000, v16  }
0x2b9: {  	(xrf0) =	vmax.scan.msk.u32 $0xffff, v6;
	_ =	sdelay $0x4  }
0x2ba: {  	(v2sf) =	vpush v7, $0xF;
	v6, _, _ =	vpop (xrf0)  }
0x2bb: {  	(v2sf) =	vpush v6, $0xF;
	v6, _, _ =	vpop (xrf0)  }
0x2bc: {  	(v2sf) =	vpush v6, $0xF;
	_ =	sdelay $0x6  }
0x2bd: {  	s23 =	sand.u32 $0x7, s28  }
0x2be: {  	p2 =	sne.s32 s23, $0x7  }
0x2bf: {  	p3 =	sgt.f32 @!p2 s0, $-9.999999930e+36;
	_ =	sdelay $0x1  }
0x2c0: {  	p3 =	por p2, !p3  }
.Ltmp23:
0x2c1: {  	_ = 	snop;
	(pc) =	sbr.rel @p3 .LBB2_25-.Ltmp23, $4  }
0x2c2: {  	s29 =	spop (v2sf)  }
0x2c3: {  	s25 =	spop (v2sf)  }
0x2c4: {  	v6 =	vsel vm14, $0xBF800000, v4;
	s3 =	spop (v2sf)  }
0x2c5: {  	[tilespmem:$0x10200] =	vst v6;
	s31 =	sxor.u32 $0x80000000, s25;
	s25 =	sadd.s32 $0x80000001, s3  }
0x2c6: {  	p2 =	sgt.s32 s3, $0xFFFFFFFE  }
.Ltmp24:
0x2c7: {  	_ = 	snop;
	(pc) =	sbr.rel @p2 .LBB2_33-.Ltmp24, $2  }
0x2c8: {  	_ =	sdelay $0x2  }
0x2c9: {  	v6 =	vimm.s32 $0xFFFFFFFF;
	s1 =	simm.f32 $0.0e+00  }
0x2ca: {  	p3 =	sne.s32 s25, $0x1  }
.Ltmp25:
0x2cb: {  	_ = 	snop;
	(pc) =	sbr.rel @!p3 .LBB2_35-.Ltmp25, $4  }
0x2cc: {  	[dreg:$0xb] =	wrdreg s24  }
0x2cd: {  	s2 =	simm.s32 $0x7E00;
	s22 =	simm.s32 $0x9300;
	s6 =	simm.s32 $0xA800  }
0x2ce: {  	s8 =	simm.s32 $0xBD00;
	s5 =	simm.s32 $0xD200;
	s23 =	simm.s32 $0xE700  }
0x2cf: {  	v6 =	vmov s30;
	v7 =	vmov s31;
	v10 =	vimm.s32 $0x7FFFFFFF;
	s7 =	simm.s32 $0x0;
	p2 =	por $0x0, $0x0;
	v8 =	vld [tilespmem:s2+$0x0];
	s2 =	sadd.s32 $0xFFFFFFFF, s25  }
0x2d0: {  	_ =	sdelay $0x3  }
0x2d1: {  	vm0 =	vgt.f32 v8, $-9.999999930e+36  }
0x2d2: {  	v9 =	vsel vm0, $0x3F800000, v4  }
0x2d3: {  	(xrf2) =	vadd.scan.msk.f32 $0xffff, v9;
	_ =	sdelay $0x8  }
0x2d4: {  	s4 =	sadd.f32 $-1.000000000e+00, s1  }
0x2d5: {  	v9, _, _ =	vpop (xrf2)  }
0x2d6: {  	v11 =	vadd.f32 s4, v9;
	_ =	sdelay $0x1  }
0x2d7: {  	v11 =	vtrunc.f32 v11  }
0x2d8: {  	v12 =	vcvt.f32.s32 v11;
	_ =	sdelay $0x1  }
0x2d9: {  	v13 =	vld [tilespmem:s22+$0x0]  }
0x2da: {  	v14 =	vld [tilespmem:s6+$0x0];
	(xrf0) =	vmax.scan.msk.f32 $0xffff, v9  }
0x2db: {  	v15 =	vld [tilespmem:s8+$0x0]  }
0x2dc: {  	v16 =	vld [tilespmem:s5+$0x0]  }
0x2dd: {  	v11 =	vld [tilespmem:s23+$0x0];
	[tilespmem:v12+s15+$0x0] =	vst.idx.msk vm0, v8;
	v8 =	vor.u32 s7, v5;
	_ =	sdelay $0x2  }
0x2de: {  	vm1 =	veq.s32 v8, v6;
	vm2 =	veq.s32 v8, v7;
	v8, _, _ =	vpop (xrf0)  }
0x2df: {  	(v2sf) =	vpush v8, $0xF;
	_ =	sdelay $0x2  }
0x2e0: {  	p3 =	sne.s32 s2, $0x1;
	[tilespmem:v12+s17+$0x0] =	vst.idx.msk vm0, v13  }
.Ltmp26:
0x2e1: {  	[tilespmem:v12+s18+$0x0] =	vst.idx.msk vm0, v14;
	(pc) =	sbr.rel @!p3 .LBB2_37-.Ltmp26, $4  }
0x2e2: {  	[dreg:$0xa] =	wrdreg s28;
	s26 =	simm.s32 $0x7E10;
	[tilespmem:v12+s19+$0x0] =	vst.idx.msk vm0, v15  }
0x2e3: {  	s28 =	sadd.s32 $0xFFFFFFFF, s2;
	p2 =	por $0x1, $0x1;
	s8 =	simm.s32 $0xD200;
	[tilespmem:v12+s20+$0x0] =	vst.idx.msk vm0, v16  }
0x2e4: {  	s2 =	simm.s32 $0xBD00;
	s9 =	simm.s32 $0xA800;
	s24 =	simm.s32 $0x0;
	vm1 =	vmand vm1, vm0;
	vm2 =	vmand vm2, vm0;
	[tilespmem:v12+s21+$0x0] =	vst.idx.msk vm0, v11  }
0x2e5: {  	s16 =	simm.s32 $0x9300;
	s4 =	simm.f32 $0.0e+00;
	s23 =	simm.s32 $0xE710;
	v9 =	vsel vm2, v12, v10;
	v11 =	vsel vm1, v12, v10;
	v8 =	vld [tilespmem:s26+$0x0]  }
.LBB2_38:
0x2e6: {  	p3 =	sne.s32 s28, $0x1;
	v10 =	vld [tilespmem:s23+$0x0];
	s8 =	sadd.s32 $0x10, s8  }
0x2e7: {  	s2 =	sadd.s32 $0x10, s2;
	v12 =	vld [tilespmem:s8+$0x0]  }
0x2e8: {  	s9 =	sadd.s32 $0x10, s9;
	s24 =	sadd.s32 $0x10, s24;
	v13 =	vld [tilespmem:s2+$0x0]  }
0x2e9: {  	s16 =	sadd.s32 $0x10, s16;
	v15 =	vor.u32 s24, v5;
	v14 =	vld [tilespmem:s9+$0x0]  }
0x2ea: {  	vm0 =	veq.s32 v15, v6;
	vm1 =	veq.s32 v15, v7;
	vm4 =	vgt.f32 v8, $-9.999999930e+36;
	v16 =	vld [tilespmem:s16+$0x0]  }
0x2eb: {  	v15 =	vsel vm4, $0x3F800000, v4;
	vm0 =	vmand vm0, vm4;
	vm1 =	vmand vm1, vm4  }
0x2ec: {  	(xrf2) =	vadd.scan.msk.f32 $0xffff, v15;
	s5 =	spop (v2sf)  }
0x2ed: {  	s4 =	sadd.f32 s5, s4;
	_ =	sdelay $0x1  }
0x2ee: {  	s5 =	sadd.f32 $-1.000000000e+00, s4;
	_ =	sdelay $0x6  }
0x2ef: {  	v15, _, _ =	vpop (xrf2)  }
0x2f0: {  	v17 =	vadd.f32 s5, v15;
	(xrf0) =	vmax.scan.msk.f32 $0xffff, v15;
	_ =	sdelay $0x1  }
0x2f1: {  	v15 =	vtrunc.f32 v17  }
0x2f2: {  	v15 =	vcvt.f32.s32 v15;
	_ =	sdelay $0x1  }
0x2f3: {  	v11 =	vsel vm0, v15, v11;
	v9 =	vsel vm1, v15, v9  }
0x2f4: {  	v17, _, _ =	vpop (xrf0)  }
0x2f5: {  	(v2sf) =	vpush v17, $0xF;
	_ =	sdelay $0x1  }
0x2f6: {  	[tilespmem:v15+s15+$0x0] =	vst.idx.msk vm4, v8  }
0x2f7: {  	[tilespmem:v15+s17+$0x0] =	vst.idx.msk vm4, v16  }
.Ltmp27:
0x2f8: {  	[tilespmem:v15+s18+$0x0] =	vst.idx.msk vm4, v14;
	(pc) =	sbr.rel @p3 .LBB2_38-.Ltmp27, $4  }
0x2f9: {  	[tilespmem:v15+s19+$0x0] =	vst.idx.msk vm4, v13  }
0x2fa: {  	[tilespmem:v15+s20+$0x0] =	vst.idx.msk vm4, v12  }
0x2fb: {  	s26 =	sadd.s32 $0x10, s26;
	[tilespmem:v15+s21+$0x0] =	vst.idx.msk vm4, v10  }
0x2fc: {  	s28 =	sadd.s32 $0xFFFFFFFF, s28;
	s23 =	sadd.s32 $0x10, s23;
	v8 =	vld [tilespmem:s26+$0x0]  }
0x2fd: {  	v10 =	vmov v11;
	s26 =	simm.s32 $0xFC00;
	s28 =	rddreg [dreg:$0xa]  }
.LBB2_40:
0x2fe: {  	_ =	sdelay $0x2  }
0x2ff: {  	vm4 =	vgt.f32 v8, $-9.999999930e+36  }
0x300: {  	v11 =	vsel vm4, $0x3F800000, v4  }
0x301: {  	(xrf2) =	vadd.scan.msk.f32 $0xffff, v11;
	_ =	sdelay $0x9  }
0x302: {  	v11, _, _ =	vpop (xrf2)  }
0x303: {  	(xrf0) =	vmax.scan.msk.f32 $0xffff, v11;
	_ =	sdelay $0x3  }
0x304: {  	s5 =	spop @p2 (v2sf)  }
0x305: {  	s4 =	sadd.f32 @p2 s5, s4  }
0x306: {  	v12, _, _ =	vpop (xrf0)  }
0x307: {  	s1 =	smov.u32 @p2 s4;
	(v2sf) =	vpush v12, $0xF  }
0x308: {  	s4 =	sadd.f32 $-1.000000000e+00, s1;
	_ =	sdelay $0x1  }
0x309: {  	v11 =	vadd.f32 s4, v11;
	_ =	sdelay $0x1  }
0x30a: {  	v11 =	vtrunc.f32 v11  }
0x30b: {  	s4 =	sadd.s32 @p2 $0x10, s16;
	v11 =	vcvt.f32.s32 v11  }
0x30c: {  	s5 =	sadd.s32 @p2 $0x10, s9;
	s22 =	smov.u32 @p2 s4  }
0x30d: {  	s2 =	sadd.s32 @p2 $0x10, s2;
	s6 =	smov.u32 @p2 s5;
	s5 =	simm.s32 $0xBD00;
	v13 =	vld [tilespmem:s22+$0x0]  }
0x30e: {  	s5 =	smov.u32 @p2 s2;
	v14 =	vld [tilespmem:s6+$0x0];
	s2 =	simm.s32 $0xD200;
	s4 =	sadd.s32 @p2 $0x10, s8  }
0x30f: {  	v15 =	vld [tilespmem:s5+$0x0];
	s2 =	smov.u32 @p2 s4  }
0x310: {  	v16 =	vld [tilespmem:s2+$0x0];
	s2 =	sadd.s32 @p2 $0x10, s24  }
0x311: {  	v63 =	vld [tilespmem:s23+$0x0];
	s7 =	smov.u32 @p2 s2;
	[tilespmem:v11+s15+$0x0] =	vst.idx.msk vm4, v8  }
.Ltmp28:
0x312: {  	v8 =	vor.u32 s7, v5;
	[tilespmem:v11+s17+$0x0] =	vst.idx.msk vm4, v13;
	(pc) =	sbr.rel .LBB2_41-.Ltmp28, $4  }
0x313: {  	vm0 =	veq.s32 v8, v6;
	vm1 =	veq.s32 v8, v7;
	[tilespmem:v11+s18+$0x0] =	vst.idx.msk vm4, v14  }
0x314: {  	vm0 =	vmand vm0, vm4;
	vm1 =	vmand vm1, vm4;
	[tilespmem:v11+s19+$0x0] =	vst.idx.msk vm4, v15;
	s24 =	spop (v2sf)  }
0x315: {  	v6 =	vsel vm0, v11, v10;
	v7 =	vsel vm1, v11, v9;
	[tilespmem:v11+s20+$0x0] =	vst.idx.msk vm4, v16;
	s1 =	sadd.f32 s24, s1  }
0x316: {  	v6 =	vxor.u32 $0x80000000, v6;
	v7 =	vxor.u32 $0x80000000, v7;
	[tilespmem:v11+s21+$0x0] =	vst.idx.msk vm4, v63;
	s24 =	rddreg [dreg:$0xb]  }
.LBB2_25:
.Ltmp29:
0x317: {  	(pc) =	sbr.rel .LBB2_49-.Ltmp29, $2  }
0x318: {  	_ =	sdelay $0x2  }
0x319: {  	v6 =	vpsel p2, v6, v6  }
.LBB2_33:
0x31a: {  	v7 =	vimm.s32 $0xFFFFFFFF  }
.LBB2_41:
0x31b: {  	s4 =	scvt.f32.s32 s1;
	_ =	sdelay $0x1  }
0x31c: {  	s6 =	sshra.s32 s4, $0x4  }
0x31d: {  	s7 =	sadd.s32 $0x1, s6  }
0x31e: {  	s2 =	ssub.s32 s25, s7  }
0x31f: {  	s5 =	sshra.s32 s2, $0x1F  }
0x320: {  	p2 =	sge.s32 s6, s25;
	s5 =	sshrl.u32 s5, $0x1E  }
0x321: {  	s8 =	sand.u32 @!p2 $0xFFFFFFF0, s4;
	s4 =	sand.u32 @!p2 $0xF, s4;
	s5 =	sadd.s32 s5, s2  }
0x322: {  	v10 =	vmov @!p2 s4;
	s4 =	sand.u32 $0xFFFFFFFC, s5  }
0x323: {  	v8 =	vld @!p2 [tilespmem:s8+$0x7E00];
	s5 =	sadd.s32 s7, s4  }
0x324: {  	p3 =	sge.s32 s7, s5  }
.Ltmp30:
0x325: {  	v9 =	vlaneseq.u32 @!p2;
	(pc) =	sbr.rel @p3 .LBB2_45-.Ltmp30, $4  }
0x326: {  	v9 =	vadd.s32 @!p2 $0x1, v9  }
0x327: {  	vm0 =	vlt.u32 @!p2 v10, v9  }
0x328: {  	v8 =	vsel @!p2 vm0, $0xFF61B1E6, v8  }
0x329: {  	[tilespmem:s8+$0x7E00] =	vst @!p2 v8  }
0x32a: {  	s7 =	sadd.s32 $0x4, s7  }
0x32b: {  	s6 =	sshll.u32 s6, $0x6;
	p2 =	slt.s32 s7, s5  }
.Ltmp31:
0x32c: {  	s6 =	sshra.s32 s6, $0x2;
	(pc) =	sbr.rel @!p2 .LBB2_44-.Ltmp31, $4  }
0x32d: {  	s6 =	sadd.s32 $0x7E20, s6  }
0x32e: {  	[tilespmem:s6+$0xFFFFFFF0] =	vst v2  }
0x32f: {  	[tilespmem:s6+$0x20] =	vst v2  }
0x330: {  	[tilespmem:s6+$0x10] =	vst v2  }
.LBB2_43:
0x331: {  	s7 =	sadd.s32 $0x4, s7  }
0x332: {  	[tilespmem:s6+$0x0] =	vst v2;
	s6 =	sadd.s32 $0x40, s6;
	p2 =	slt.s32 s7, s5  }
.Ltmp32:
0x333: {  	[tilespmem:s6+$0xFFFFFFF0] =	vst v2;
	(pc) =	sbr.rel @p2 .LBB2_43-.Ltmp32, $3  }
0x334: {  	_ =	sdelay $0x1  }
0x335: {  	[tilespmem:s6+$0x20] =	vst v2  }
0x336: {  	[tilespmem:s6+$0x10] =	vst v2  }
.LBB2_44:
0x337: {  	[tilespmem:s6+$0x0] =	vst v2  }
.LBB2_45:
0x338: {  	p2 =	sge.s32 s5, s25  }
.Ltmp33:
0x339: {  	_ = 	snop;
	(pc) =	sbr.rel @p2 .LBB2_48-.Ltmp33, $1  }
0x33a: {  	_ =	sdelay $0x3  }
0x33b: {  	s2 =	ssub.s32 s2, s4  }
0x33c: {  	s3 =	sshll.u32 s3, $0x6;
	s4 =	sshll.u32 s2, $0x6  }
0x33d: {  	s3 =	ssub.s32 s3, s4  }
0x33e: {  	s3 =	sshra.s32 s3, $0x2  }
0x33f: {  	s3 =	sadd.s32 $0x7E10, s3  }
.LBB2_47:
0x340: {  	p2 =	sne.s32 s2, $0x1  }
.Ltmp34:
0x341: {  	_ = 	snop;
	(pc) =	sbr.rel @p2 .LBB2_47-.Ltmp34, $2  }
0x342: {  	_ =	sdelay $0x2  }
0x343: {  	[tilespmem:s3+$0x0] =	vst v2;
	s3 =	sadd.s32 $0x10, s3;
	s2 =	sadd.s32 $0xFFFFFFFF, s2  }
.Ltmp35:
0x344: {  	_ = 	snop;
	(pc) =	sbr.rel .LBB2_48-.Ltmp35, $1  }
0x345: {  	_ =	sdelay $0x3  }
.LBB2_35:
.Ltmp36:
0x346: {  	(pc) =	sbr.rel .LBB2_40-.Ltmp36, $3  }
0x347: {  	_ =	sdelay $0x1  }
0x348: {  	s8 =	simm.s32 $0xD200;
	s2 =	simm.s32 $0xBD00;
	s9 =	simm.s32 $0xA800  }
0x349: {  	s24 =	simm.s32 $0x0;
	s16 =	simm.s32 $0x9300;
	s4 =	simm.f32 $0.0e+00;
	v9 =	vimm.s32 $0x7FFFFFFF  }
.LBB2_37:
.Ltmp37:
0x34a: {  	(pc) =	sbr.rel .LBB2_40-.Ltmp37, $4  }
0x34b: {  	_ = 	snop  }
0x34c: {  	s8 =	simm.s32 $0xD200;
	s2 =	simm.s32 $0xBD00  }
0x34d: {  	s9 =	simm.s32 $0xA800;
	s24 =	simm.s32 $0x0;
	s16 =	simm.s32 $0x9300  }
0x34e: {  	s4 =	simm.f32 $0.0e+00;
	v10 =	vmov v11;
	s26 =	simm.s32 $0xFC00;
	s28 =	rddreg [dreg:$0xa]  }
.Lfunc_end2:
_tile_overlayer_lowered:
.L_overlay_start_2:
0x34f: {  	(tag) =	ssettag $0x2  }
0x350: {  	s0 =	rddreg [dreg:$0x0];
	s2 =	stileid.u32  }
0x351: {  	s1 =	rddreg [dreg:$0x1];
	p0 =	sne.s32 s2, $0x0  }
0x352: {  	s3 =	rddreg [dreg:$0x2];
	[bflag:$0x3] =	sbarrier.arrive $0xFFFF;
	s2 =	simm.s32 @!p0 $0x1C01  }
0x353: {  	[timem:s3], [sflag:s2] =	dma.local @!p0 [hbm:s0], s1  }
0x354: {  	s0 =	simm.s32 @!p0 $0x1  }
0x355: {  	_ =	swait.ge @!p0 [sflag:s0], s1  }
0x356: {  	s1 =	ssub.s32 @!p0 $0x0, s1;
	[sflag:s0] =	ssyncset.done @!p0 $0x0  }
0x357: {  	[sflag:s0] =	ssyncadd.s32 @!p0 s1  }
0x358: {  	[bflag:$0x3] =	sbarrier.arrive $0xFFFF  }
0x359: {  	_ =	shalt  }

</sc_bundles>
